<compile_context>
chip_gen: v7x
topology: tpu7x:2x2x1
jax: 0.10.2.dev20260603
libtpu: 0.0.44.dev20260713+nightly
codegen_flags: <defaults>
</compile_context>

<pallas_src>
import functools
import math

import jax
import jax.numpy as jnp
from jax import lax
from jax.experimental import pallas as pl
from jax.experimental.pallas import tpu as pltpu
from jax.experimental.pallas import tpu_sc as plsc

N = 10000
E = 320000
C = 128
H = C // 2
NC = 2
NS = 16
NW = NC * NS
B = 80
NCHA = E // NW // B
NCHB = E // NS // B
RPT = 624
REM = N - NS * RPT


def _proj_body(x_ref, w_ref, b_ref, q_ref, k_ref, v2_ref, s_ref):
    r = jnp.dot(x_ref[...], w_ref[...], preferred_element_type=jnp.float32)
    r = r + b_ref[...]
    q_ref[...] = r[:, 0:128]
    k_ref[...] = r[:, 128:256]
    v2_ref[0] = r[:, 256:320]
    v2_ref[1] = r[:, 320:384]
    s_ref[...] = r[:, 384:512]


def _project(x, w, b):
    blk = 2000
    grid = N // blk
    out = jax.ShapeDtypeStruct((N, C), jnp.float32)
    return pl.pallas_call(
        _proj_body,
        grid=(grid,),
        in_specs=[
            pl.BlockSpec((blk, C), lambda i: (i, 0)),
            pl.BlockSpec((C, 4 * C), lambda i: (0, 0)),
            pl.BlockSpec((1, 4 * C), lambda i: (0, 0)),
        ],
        out_specs=[
            pl.BlockSpec((blk, C), lambda i: (i, 0)),
            pl.BlockSpec((blk, C), lambda i: (i, 0)),
            pl.BlockSpec((2, blk, H), lambda i: (0, i, 0)),
            pl.BlockSpec((blk, C), lambda i: (i, 0)),
        ],
        out_shape=[out, out, jax.ShapeDtypeStruct((2, N, H), jnp.float32),
                   out],
    )(x, w, b)


def _alpha_body(q_hbm, k_hbm, src_hbm, dst_hbm, zflat_hbm,
                e_out, den_out, src_v, dst_v, qb, kb, eb, dacc, sem):
    cid = lax.axis_index("c")
    sid = lax.axis_index("s")
    wid = sid * NC + cid

    pltpu.sync_copy(src_hbm.at[wid], src_v)
    pltpu.sync_copy(dst_hbm.at[wid], dst_v)
    pltpu.sync_copy(zflat_hbm, dacc)

    iota16 = lax.iota(jnp.int32, 16)

    def chunk_body(j, carry):
        src_idx = src_v.at[j]
        dst_idx = dst_v.at[j]
        cq = pltpu.make_async_copy(q_hbm.at[dst_idx], qb, sem)
        ck = pltpu.make_async_copy(k_hbm.at[src_idx], kb, sem)
        cq.start()
        ck.start()
        cq.wait()
        ck.wait()
        for g in range(B // 16):
            rows = iota16 + (g * 16)

            def dot_body(c, acc):
                cc = jnp.full((16,), c, jnp.int32)
                qv = plsc.load_gather(qb, [rows, cc])
                kv = plsc.load_gather(kb, [rows, cc])
                return acc + qv * kv

            alpha = lax.fori_loop(0, C, dot_body,
                                  jnp.zeros((16,), jnp.float32))
            ev = jnp.exp(alpha)
            eb[pl.ds(g * 16, 16)] = ev
            dstv = plsc.load_gather(dst_v, [jnp.full((16,), j, jnp.int32),
                                            rows])
            plsc.addupdate_scatter(dacc, [jnp.zeros((16,), jnp.int32), dstv],
                                   ev)
        pltpu.sync_copy(eb, e_out.at[wid, j])
        return carry

    lax.fori_loop(0, NCHA, chunk_body, 0)
    pltpu.sync_copy(dacc, den_out.at[wid])


_alpha_kernel = functools.partial(
    pl.kernel,
    out_type=[
        jax.ShapeDtypeStruct((NW, NCHA, B), jnp.float32),
        jax.ShapeDtypeStruct((NW, 1, N), jnp.float32),
    ],
    mesh=plsc.VectorSubcoreMesh(core_axis_name="c", subcore_axis_name="s"),
    compiler_params=pltpu.CompilerParams(needs_layout_passes=False, use_tc_tiling_on_sc=False),
    scratch_types=[
        pltpu.VMEM((NCHA, B), jnp.int32),
        pltpu.VMEM((NCHA, B), jnp.int32),
        pltpu.VMEM((B, C), jnp.float32),
        pltpu.VMEM((B, C), jnp.float32),
        pltpu.VMEM((B,), jnp.float32),
        pltpu.VMEM((1, N), jnp.float32),
        pltpu.SemaphoreType.DMA,
    ],
)(_alpha_body)


def _scatter_body(v2_hbm, src_hbm, dst_hbm, e_hbm, zrow_hbm,
                  s_out, src_v, dst_v, e_v, vb, s_sh, sem):
    cid = lax.axis_index("c")
    sid = lax.axis_index("s")

    pltpu.sync_copy(src_hbm.at[sid], src_v)
    pltpu.sync_copy(dst_hbm.at[sid], dst_v)
    pltpu.sync_copy(e_hbm.at[sid], e_v)
    pltpu.sync_copy(zrow_hbm, s_sh.at[pl.ds(sid * RPT, RPT)])

    @pl.when(sid == 0)
    def _zero_tail():
        pltpu.sync_copy(zrow_hbm.at[pl.ds(0, REM)],
                        s_sh.at[pl.ds(NS * RPT, REM)])

    plsc.subcore_barrier()

    iota16 = lax.iota(jnp.int32, 16)

    def chunk_body(j, carry):
        src_idx = src_v.at[j]
        dst_idx = dst_v.at[j]
        cg = pltpu.make_async_copy(v2_hbm.at[cid].at[src_idx], vb, sem)
        cg.start()
        cg.wait()
        jj = jnp.full((16,), j, jnp.int32)
        for g in range(B // 16):
            rows = iota16 + (g * 16)
            ev = plsc.load_gather(e_v, [jj, rows])

            def scale_body(c, carry2):
                cc = jnp.full((16,), c, jnp.int32)
                col = plsc.load_gather(vb, [rows, cc])
                plsc.store_scatter(vb, [rows, cc], col * ev)
                return carry2

            lax.fori_loop(0, H, scale_body, 0)
        pltpu.sync_copy(vb, s_sh.at[dst_idx], add=True)
        return carry

    lax.fori_loop(0, NCHB, chunk_body, 0)

    plsc.subcore_barrier()
    pltpu.sync_copy(s_sh.at[pl.ds(sid * RPT, RPT)],
                    s_out.at[cid, pl.ds(sid * RPT, RPT)])

    @pl.when(sid == 0)
    def _read_tail():
        pltpu.sync_copy(s_sh.at[pl.ds(NS * RPT, REM)],
                        s_out.at[cid, pl.ds(NS * RPT, REM)])


_scatter_kernel = functools.partial(
    pl.kernel,
    out_type=jax.ShapeDtypeStruct((NC, N, H), jnp.float32),
    mesh=plsc.VectorSubcoreMesh(core_axis_name="c", subcore_axis_name="s"),
    compiler_params=pltpu.CompilerParams(needs_layout_passes=False, use_tc_tiling_on_sc=False),
    scratch_types=[
        pltpu.VMEM((NCHB, B), jnp.int32),
        pltpu.VMEM((NCHB, B), jnp.int32),
        pltpu.VMEM((NCHB, B), jnp.float32),
        pltpu.VMEM((B, H), jnp.float32),
        pltpu.VMEM_SHARED((N, H), jnp.float32),
        pltpu.SemaphoreType.DMA,
    ],
)(_scatter_body)


def _post_body(s2_ref, den_ref, skip_ref, gnw_ref, gnb_ref, gms_ref,
               w1_ref, b1_ref, w2_ref, b2_ref, o_ref):
    s = jnp.concatenate([s2_ref[0], s2_ref[1]], axis=1)
    den = jnp.sum(den_ref[...], axis=0)
    out = s / (den[:, None] + 1e-16) + skip_ref[...]
    mean = jnp.mean(out, axis=0)
    centered = out - mean[None, :] * gms_ref[...]
    var = jnp.mean(centered * centered, axis=0)
    h = gnw_ref[...] * centered / jnp.sqrt(var + 1e-5)[None, :] + gnb_ref[...]
    h = jnp.maximum(h, 0.0)
    h = jnp.dot(h, w1_ref[...], preferred_element_type=jnp.float32)
    h = jnp.maximum(h + b1_ref[...], 0.0)
    h = jnp.dot(h, w2_ref[...], preferred_element_type=jnp.float32)
    o_ref[...] = h + b2_ref[...]


def _post(s2, den, skip, gnw, gnb, gms, w1, b1, w2, b2):
    return pl.pallas_call(
        _post_body,
        out_shape=jax.ShapeDtypeStruct((N, C), jnp.float32),
    )(s2, den, skip, gnw, gnb, gms, w1, b1, w2, b2)


def kernel(x, edge_index, Wq, bq, Wk, bk, Wv, bv, Wskip, bskip,
           gn_weight, gn_bias, gn_mean_scale, W1, b1, W2, b2):
    inv = 1.0 / math.sqrt(C)
    w = jnp.concatenate([Wq * inv, Wk, Wv, Wskip], axis=1)
    b = jnp.concatenate([bq * inv, bk, bv, bskip])[None, :]
    q, k, v2, skip = _project(x, w, b)

    src_a = edge_index[0].reshape(NW, NCHA, B)
    dst_a = edge_index[1].reshape(NW, NCHA, B)
    zflat = jnp.zeros((1, N), jnp.float32)
    e, den = _alpha_kernel(q, k, src_a, dst_a, zflat)

    src_b = edge_index[0].reshape(NS, NCHB, B)
    dst_b = edge_index[1].reshape(NS, NCHB, B)
    e_b = e.reshape(NS, NCHB, B)
    zrow = jnp.zeros((RPT, H), jnp.float32)
    s2 = _scatter_kernel(v2, src_b, dst_b, e_b, zrow)

    return _post(s2, den.reshape(NW, N), skip,
                 gn_weight[None, :], gn_bias[None, :], gn_mean_scale[None, :],
                 W1, b1[None, :], W2, b2[None, :])

# --- scband reference (transcript-rebuilt; emitter-appended) ---
"""Pipeline reference for scband-uni-mptransformer-18073222382227 (READ-ONLY COPY).

The authoritative reference and input builder live on the scoring server;
editing this copy changes nothing except your own understanding.
"""

import jax, jax.numpy as jnp
import numpy as np

N = 10000
E = 320000
D = 128   # in_size
C = 128   # embedding_size (heads=1, concat=True)
OUT = 128

def setup_inputs(seed: int = 0) -> dict:
    key = jax.random.key(seed)
    ks = jax.random.split(key, 12)
    s_in = 1.0 / np.sqrt(D)
    s_c = 1.0 / np.sqrt(C)
    return {
        "x": jax.random.normal(ks[0], (N, D), dtype=jnp.float32),
        "edge_index": jax.random.randint(ks[1], (2, E), 0, N, dtype=jnp.int32),
        "Wq": jax.random.normal(ks[2], (D, C), dtype=jnp.float32) * s_in,
        "bq": jnp.zeros((C,), dtype=jnp.float32),
        "Wk": jax.random.normal(ks[3], (D, C), dtype=jnp.float32) * s_in,
        "bk": jnp.zeros((C,), dtype=jnp.float32),
        "Wv": jax.random.normal(ks[4], (D, C), dtype=jnp.float32) * s_in,
        "bv": jnp.zeros((C,), dtype=jnp.float32),
        "Wskip": jax.random.normal(ks[5], (D, C), dtype=jnp.float32) * s_in,
        "bskip": jnp.zeros((C,), dtype=jnp.float32),
        "gn_weight": jnp.ones((C,), dtype=jnp.float32),
        "gn_bias": jnp.zeros((C,), dtype=jnp.float32),
        "gn_mean_scale": jnp.ones((C,), dtype=jnp.float32),
        "W1": jax.random.normal(ks[6], (C, C), dtype=jnp.float32) * s_c,
        "b1": jnp.zeros((C,), dtype=jnp.float32),
        "W2": jax.random.normal(ks[7], (C, OUT), dtype=jnp.float32) * s_c,
        "b2": jnp.zeros((OUT,), dtype=jnp.float32),
    }

def reference(x, edge_index, Wq, bq, Wk, bk, Wv, bv, Wskip, bskip,
              gn_weight, gn_bias, gn_mean_scale, W1, b1, W2, b2):
    src = edge_index[0]
    dst = edge_index[1]
    # TransformerConv (heads=1, concat=True, root_weight=True, beta=False, dropout p=0)
    q = x @ Wq + bq
    k = x @ Wk + bk
    v = x @ Wv + bv
    alpha = jnp.sum(q[dst] * k[src], axis=-1) / jnp.sqrt(jnp.float32(C))
    amax = jax.ops.segment_max(alpha, dst, num_segments=N)
    amax = jnp.where(jnp.isfinite(amax), amax, 0.0)
    e = jnp.exp(alpha - amax[dst])
    denom = jax.ops.segment_sum(e, dst, num_segments=N)
    attn = e / (denom[dst] + 1e-16)
    out = jax.ops.segment_sum(attn[:, None] * v[src], dst, num_segments=N)
    out = out + x @ Wskip + bskip
    # GraphNorm over the single graph (all nodes)
    mean = jnp.mean(out, axis=0)
    centered = out - mean * gn_mean_scale
    var = jnp.mean(centered * centered, axis=0)
    h = gn_weight * centered / jnp.sqrt(var + 1e-5) + gn_bias
    h = jax.nn.relu(h)
    # linear head (dropout p=0.0 is identity)
    h = jax.nn.relu(h @ W1 + b1)
    return h @ W2 + b2

if __name__ == "__main__":
    import jax
    _d = setup_inputs()
    print(jax.jit(kernel)(*tuple(_d.values())))

</pallas_src>

<mosaic_0001>
#map = affine_map<(d0, d1) -> (0, 0, 0)>
#map1 = affine_map<(d0, d1) -> (0, 0)>
module attributes {stable_mosaic.version = 14 : i64} {
  func.func @_scatter_body(%arg0: i32, %arg1: i32, %arg2: memref<2x10000x64xf32, #tpu.memory_space<hbm>>, %arg3: memref<16x250x80xi32, #tpu.memory_space<hbm>>, %arg4: memref<16x250x80xi32, #tpu.memory_space<hbm>>, %arg5: memref<16x250x80xf32, #tpu.memory_space<hbm>>, %arg6: memref<624x64xf32, #tpu.memory_space<hbm>>, %arg7: memref<2x10000x64xf32, #tpu.memory_space<hbm>>, %arg8: memref<250x80xi32, #tpu.memory_space<vmem>>, %arg9: memref<250x80xi32, #tpu.memory_space<vmem>>, %arg10: memref<250x80xf32, #tpu.memory_space<vmem>>, %arg11: memref<80x64xf32, #tpu.memory_space<vmem>>, %arg12: memref<10000x64xf32, #tpu.memory_space<vmem_shared>>, %arg13: memref<!tpu.dma_semaphore, #tpu.memory_space<semaphore_mem>>) attributes {dimension_semantics = [#tpu.dimension_semantics<core_parallel>, #tpu.dimension_semantics<subcore_parallel>], iteration_bounds = array<i64: 2, 16>, scalar_prefetch = 0 : i64, scratch_operands = 6 : i64, tpu.core_type = #tpu.core_type<sc_vector_subcore>, window_params = [{transform_indices = #map}, {transform_indices = #map}, {transform_indices = #map}, {transform_indices = #map}, {transform_indices = #map1}, {transform_indices = #map}]} {
    "tpu.region"() ({
      %run_scoped3A = tpu.sem_alloc : memref<!tpu.dma_semaphore, #tpu.memory_space<semaphore_mem>>
      %dma_start3A = arith.constant 0 : i32
      %dma_start3A_18 = arith.constant 0 : i32
      %dma_start3A_19 = tpu.memref_slice %arg3[%arg1, %dma_start3A, %dma_start3A_18] : memref<16x250x80xi32, #tpu.memory_space<hbm>> -> memref<1x250x80xi32, #tpu.memory_space<hbm>>
      %dma_start3A_20 = tpu.memref_squeeze %dma_start3A_19 : memref<1x250x80xi32, #tpu.memory_space<hbm>> -> memref<250x80xi32, #tpu.memory_space<hbm>>
      %dma_start3A_21 = arith.constant 0 : i32
      %dma_start3A_22 = arith.constant 0 : i32
      %dma_start3A_23 = tpu.memref_slice %arg3[%arg1, %dma_start3A_21, %dma_start3A_22] : memref<16x250x80xi32, #tpu.memory_space<hbm>> -> memref<1x250x80xi32, #tpu.memory_space<hbm>>
      %dma_start3A_24 = tpu.memref_squeeze %dma_start3A_23 : memref<1x250x80xi32, #tpu.memory_space<hbm>> -> memref<250x80xi32, #tpu.memory_space<hbm>>
      tpu.enqueue_dma source(%dma_start3A_24 : memref<250x80xi32, #tpu.memory_space<hbm>>) target(%arg8 : memref<250x80xi32, #tpu.memory_space<vmem>>) target_semaphore(%run_scoped3A : memref<!tpu.dma_semaphore, #tpu.memory_space<semaphore_mem>>)
      %dma_wait3A = arith.constant 0 : i32
      %dma_wait3A_25 = arith.constant 0 : i32
      %dma_wait3A_26 = tpu.memref_slice %arg3[%arg1, %dma_wait3A, %dma_wait3A_25] : memref<16x250x80xi32, #tpu.memory_space<hbm>> -> memref<1x250x80xi32, #tpu.memory_space<hbm>>
      %dma_wait3A_27 = tpu.memref_squeeze %dma_wait3A_26 : memref<1x250x80xi32, #tpu.memory_space<hbm>> -> memref<250x80xi32, #tpu.memory_space<hbm>>
      %dma_wait3A_28 = arith.constant 0 : i32
      %dma_wait3A_29 = arith.constant 0 : i32
      %dma_wait3A_30 = tpu.memref_slice %arg3[%arg1, %dma_wait3A_28, %dma_wait3A_29] : memref<16x250x80xi32, #tpu.memory_space<hbm>> -> memref<1x250x80xi32, #tpu.memory_space<hbm>>
      %dma_wait3A_31 = tpu.memref_squeeze %dma_wait3A_30 : memref<1x250x80xi32, #tpu.memory_space<hbm>> -> memref<250x80xi32, #tpu.memory_space<hbm>>
      tpu.wait_dma2 semaphore(%run_scoped3A : memref<!tpu.dma_semaphore, #tpu.memory_space<semaphore_mem>>) src(%dma_wait3A_31 : memref<250x80xi32, #tpu.memory_space<hbm>>) dst(%arg8 : memref<250x80xi32, #tpu.memory_space<vmem>>)
      tpu.yield
    }) : () -> ()
    "tpu.region"() ({
      %run_scoped3A = tpu.sem_alloc : memref<!tpu.dma_semaphore, #tpu.memory_space<semaphore_mem>>
      %dma_start3A = arith.constant 0 : i32
      %dma_start3A_18 = arith.constant 0 : i32
      %dma_start3A_19 = tpu.memref_slice %arg4[%arg1, %dma_start3A, %dma_start3A_18] : memref<16x250x80xi32, #tpu.memory_space<hbm>> -> memref<1x250x80xi32, #tpu.memory_space<hbm>>
      %dma_start3A_20 = tpu.memref_squeeze %dma_start3A_19 : memref<1x250x80xi32, #tpu.memory_space<hbm>> -> memref<250x80xi32, #tpu.memory_space<hbm>>
      %dma_start3A_21 = arith.constant 0 : i32
      %dma_start3A_22 = arith.constant 0 : i32
      %dma_start3A_23 = tpu.memref_slice %arg4[%arg1, %dma_start3A_21, %dma_start3A_22] : memref<16x250x80xi32, #tpu.memory_space<hbm>> -> memref<1x250x80xi32, #tpu.memory_space<hbm>>
      %dma_start3A_24 = tpu.memref_squeeze %dma_start3A_23 : memref<1x250x80xi32, #tpu.memory_space<hbm>> -> memref<250x80xi32, #tpu.memory_space<hbm>>
      tpu.enqueue_dma source(%dma_start3A_24 : memref<250x80xi32, #tpu.memory_space<hbm>>) target(%arg9 : memref<250x80xi32, #tpu.memory_space<vmem>>) target_semaphore(%run_scoped3A : memref<!tpu.dma_semaphore, #tpu.memory_space<semaphore_mem>>)
      %dma_wait3A = arith.constant 0 : i32
      %dma_wait3A_25 = arith.constant 0 : i32
      %dma_wait3A_26 = tpu.memref_slice %arg4[%arg1, %dma_wait3A, %dma_wait3A_25] : memref<16x250x80xi32, #tpu.memory_space<hbm>> -> memref<1x250x80xi32, #tpu.memory_space<hbm>>
      %dma_wait3A_27 = tpu.memref_squeeze %dma_wait3A_26 : memref<1x250x80xi32, #tpu.memory_space<hbm>> -> memref<250x80xi32, #tpu.memory_space<hbm>>
      %dma_wait3A_28 = arith.constant 0 : i32
      %dma_wait3A_29 = arith.constant 0 : i32
      %dma_wait3A_30 = tpu.memref_slice %arg4[%arg1, %dma_wait3A_28, %dma_wait3A_29] : memref<16x250x80xi32, #tpu.memory_space<hbm>> -> memref<1x250x80xi32, #tpu.memory_space<hbm>>
      %dma_wait3A_31 = tpu.memref_squeeze %dma_wait3A_30 : memref<1x250x80xi32, #tpu.memory_space<hbm>> -> memref<250x80xi32, #tpu.memory_space<hbm>>
      tpu.wait_dma2 semaphore(%run_scoped3A : memref<!tpu.dma_semaphore, #tpu.memory_space<semaphore_mem>>) src(%dma_wait3A_31 : memref<250x80xi32, #tpu.memory_space<hbm>>) dst(%arg9 : memref<250x80xi32, #tpu.memory_space<vmem>>)
      tpu.yield
    }) : () -> ()
    "tpu.region"() ({
      %run_scoped3A = tpu.sem_alloc : memref<!tpu.dma_semaphore, #tpu.memory_space<semaphore_mem>>
      %dma_start3A = arith.constant 0 : i32
      %dma_start3A_18 = arith.constant 0 : i32
      %dma_start3A_19 = tpu.memref_slice %arg5[%arg1, %dma_start3A, %dma_start3A_18] : memref<16x250x80xf32, #tpu.memory_space<hbm>> -> memref<1x250x80xf32, #tpu.memory_space<hbm>>
      %dma_start3A_20 = tpu.memref_squeeze %dma_start3A_19 : memref<1x250x80xf32, #tpu.memory_space<hbm>> -> memref<250x80xf32, #tpu.memory_space<hbm>>
      %dma_start3A_21 = arith.constant 0 : i32
      %dma_start3A_22 = arith.constant 0 : i32
      %dma_start3A_23 = tpu.memref_slice %arg5[%arg1, %dma_start3A_21, %dma_start3A_22] : memref<16x250x80xf32, #tpu.memory_space<hbm>> -> memref<1x250x80xf32, #tpu.memory_space<hbm>>
      %dma_start3A_24 = tpu.memref_squeeze %dma_start3A_23 : memref<1x250x80xf32, #tpu.memory_space<hbm>> -> memref<250x80xf32, #tpu.memory_space<hbm>>
      tpu.enqueue_dma source(%dma_start3A_24 : memref<250x80xf32, #tpu.memory_space<hbm>>) target(%arg10 : memref<250x80xf32, #tpu.memory_space<vmem>>) target_semaphore(%run_scoped3A : memref<!tpu.dma_semaphore, #tpu.memory_space<semaphore_mem>>)
      %dma_wait3A = arith.constant 0 : i32
      %dma_wait3A_25 = arith.constant 0 : i32
      %dma_wait3A_26 = tpu.memref_slice %arg5[%arg1, %dma_wait3A, %dma_wait3A_25] : memref<16x250x80xf32, #tpu.memory_space<hbm>> -> memref<1x250x80xf32, #tpu.memory_space<hbm>>
      %dma_wait3A_27 = tpu.memref_squeeze %dma_wait3A_26 : memref<1x250x80xf32, #tpu.memory_space<hbm>> -> memref<250x80xf32, #tpu.memory_space<hbm>>
      %dma_wait3A_28 = arith.constant 0 : i32
      %dma_wait3A_29 = arith.constant 0 : i32
      %dma_wait3A_30 = tpu.memref_slice %arg5[%arg1, %dma_wait3A_28, %dma_wait3A_29] : memref<16x250x80xf32, #tpu.memory_space<hbm>> -> memref<1x250x80xf32, #tpu.memory_space<hbm>>
      %dma_wait3A_31 = tpu.memref_squeeze %dma_wait3A_30 : memref<1x250x80xf32, #tpu.memory_space<hbm>> -> memref<250x80xf32, #tpu.memory_space<hbm>>
      tpu.wait_dma2 semaphore(%run_scoped3A : memref<!tpu.dma_semaphore, #tpu.memory_space<semaphore_mem>>) src(%dma_wait3A_31 : memref<250x80xf32, #tpu.memory_space<hbm>>) dst(%arg10 : memref<250x80xf32, #tpu.memory_space<vmem>>)
      tpu.yield
    }) : () -> ()
    %mul3A = arith.constant 624 : i32
    %mul3A_0 = arith.muli %arg1, %mul3A : i32
    "tpu.region"() ({
      %run_scoped3A = tpu.sem_alloc : memref<!tpu.dma_semaphore, #tpu.memory_space<semaphore_mem>>
      %dma_start3A = arith.constant 0 : i32
      %dma_start3A_18 = tpu.memref_slice %arg12[%mul3A_0, %dma_start3A] : memref<10000x64xf32, #tpu.memory_space<vmem_shared>> -> memref<624x64xf32, #tpu.memory_space<vmem_shared>>
      tpu.enqueue_dma source(%arg6 : memref<624x64xf32, #tpu.memory_space<hbm>>) target(%dma_start3A_18 : memref<624x64xf32, #tpu.memory_space<vmem_shared>>) target_semaphore(%run_scoped3A : memref<!tpu.dma_semaphore, #tpu.memory_space<semaphore_mem>>)
      %dma_wait3A = arith.constant 0 : i32
      %dma_wait3A_19 = tpu.memref_slice %arg12[%mul3A_0, %dma_wait3A] : memref<10000x64xf32, #tpu.memory_space<vmem_shared>> -> memref<624x64xf32, #tpu.memory_space<vmem_shared>>
      tpu.wait_dma2 semaphore(%run_scoped3A : memref<!tpu.dma_semaphore, #tpu.memory_space<semaphore_mem>>) src(%arg6 : memref<624x64xf32, #tpu.memory_space<hbm>>) dst(%dma_wait3A_19 : memref<624x64xf32, #tpu.memory_space<vmem_shared>>)
      tpu.yield
    }) : () -> ()
    %eq3A = arith.constant 0 : i32
    %eq3A_1 = arith.cmpi eq, %arg1, %eq3A : i32
    %convert_element_type3A = arith.extui %eq3A_1 : i1 to i32
    %cond3A = arith.constant 0 : i32
    %cond3A_2 = arith.cmpi ne, %convert_element_type3A, %cond3A : i32
    scf.if %cond3A_2 {
      "tpu.region"() ({
        %run_scoped3A = tpu.sem_alloc : memref<!tpu.dma_semaphore, #tpu.memory_space<semaphore_mem>>
        %dma_start3A = arith.constant 9984 : i32
        %dma_start3A_18 = arith.constant 0 : i32
        %dma_start3A_19 = tpu.memref_slice %arg12[%dma_start3A, %dma_start3A_18] : memref<10000x64xf32, #tpu.memory_space<vmem_shared>> -> memref<16x64xf32, #tpu.memory_space<vmem_shared>>
        %dma_start3A_20 = arith.constant 0 : i32
        %dma_start3A_21 = arith.constant 0 : i32
        %dma_start3A_22 = tpu.memref_slice %arg6[%dma_start3A_20, %dma_start3A_21] : memref<624x64xf32, #tpu.memory_space<hbm>> -> memref<16x64xf32, #tpu.memory_space<hbm>>
        tpu.enqueue_dma source(%dma_start3A_22 : memref<16x64xf32, #tpu.memory_space<hbm>>) target(%dma_start3A_19 : memref<16x64xf32, #tpu.memory_space<vmem_shared>>) target_semaphore(%run_scoped3A : memref<!tpu.dma_semaphore, #tpu.memory_space<semaphore_mem>>)
        %dma_wait3A = arith.constant 9984 : i32
        %dma_wait3A_23 = arith.constant 0 : i32
        %dma_wait3A_24 = tpu.memref_slice %arg12[%dma_wait3A, %dma_wait3A_23] : memref<10000x64xf32, #tpu.memory_space<vmem_shared>> -> memref<16x64xf32, #tpu.memory_space<vmem_shared>>
        %dma_wait3A_25 = arith.constant 0 : i32
        %dma_wait3A_26 = arith.constant 0 : i32
        %dma_wait3A_27 = tpu.memref_slice %arg6[%dma_wait3A_25, %dma_wait3A_26] : memref<624x64xf32, #tpu.memory_space<hbm>> -> memref<16x64xf32, #tpu.memory_space<hbm>>
        tpu.wait_dma2 semaphore(%run_scoped3A : memref<!tpu.dma_semaphore, #tpu.memory_space<semaphore_mem>>) src(%dma_wait3A_27 : memref<16x64xf32, #tpu.memory_space<hbm>>) dst(%dma_wait3A_24 : memref<16x64xf32, #tpu.memory_space<vmem_shared>>)
        tpu.yield
      }) : () -> ()
    } else {
    }
    %barrier3A = arith.constant 0 : index
    tpu.barrier barrier_id(%barrier3A)
    %iota3A = tpu.iota {dimensions = array<i32: 0>} : vector<16xi32>
    %scan3A = arith.constant 0 : i32
    %scan3A_3 = arith.constant 0 : i32
    %scan3A_4 = arith.constant 250 : i32
    %scan3A_5 = arith.addi %scan3A_3, %scan3A_4 : i32
    %scan3A_6 = arith.constant 1 : i32
    scf.for %scan3A_18 = %scan3A_3 to %scan3A_5 step %scan3A_6  : i32 {
      %dma_start3A = arith.constant 0 : i32
      %dma_start3A_19 = tpu.memref_slice %arg8[%scan3A_18, %dma_start3A] : memref<250x80xi32, #tpu.memory_space<vmem>> -> memref<1x80xi32, #tpu.memory_space<vmem>>
      %dma_start3A_20 = tpu.memref_squeeze %dma_start3A_19 : memref<1x80xi32, #tpu.memory_space<vmem>> -> memref<80xi32, #tpu.memory_space<vmem>>
      %dma_start3A_21 = arith.constant 0 : i32
      %dma_start3A_22 = arith.constant 0 : i32
      %dma_start3A_23 = tpu.memref_slice %arg2[%arg0, %dma_start3A_21, %dma_start3A_22] : memref<2x10000x64xf32, #tpu.memory_space<hbm>> -> memref<1x10000x64xf32, #tpu.memory_space<hbm>>
      %dma_start3A_24 = tpu.memref_squeeze %dma_start3A_23 : memref<1x10000x64xf32, #tpu.memory_space<hbm>> -> memref<10000x64xf32, #tpu.memory_space<hbm>>
      %dma_start3A_25 = arith.constant 0 : i32
      %dma_start3A_26 = arith.constant 0 : i32
      %dma_start3A_27 = tpu.memref_slice %dma_start3A_24[%dma_start3A_25, %dma_start3A_26] : memref<10000x64xf32, #tpu.memory_space<hbm>> -> memref<10000x64xf32, #tpu.memory_space<hbm>>
      tpu.enqueue_indirect_dma source(%dma_start3A_27 : memref<10000x64xf32, #tpu.memory_space<hbm>>) target(%arg11 : memref<80x64xf32, #tpu.memory_space<vmem>>) offsets(%dma_start3A_20 : memref<80xi32, #tpu.memory_space<vmem>>) semaphore(%arg13 : memref<!tpu.dma_semaphore, #tpu.memory_space<semaphore_mem>>)
      %dma_wait3A = arith.constant 0 : i32
      %dma_wait3A_28 = tpu.memref_slice %arg8[%scan3A_18, %dma_wait3A] : memref<250x80xi32, #tpu.memory_space<vmem>> -> memref<1x80xi32, #tpu.memory_space<vmem>>
      %dma_wait3A_29 = tpu.memref_squeeze %dma_wait3A_28 : memref<1x80xi32, #tpu.memory_space<vmem>> -> memref<80xi32, #tpu.memory_space<vmem>>
      %dma_wait3A_30 = arith.constant 0 : i32
      %dma_wait3A_31 = arith.constant 0 : i32
      %dma_wait3A_32 = tpu.memref_slice %arg2[%arg0, %dma_wait3A_30, %dma_wait3A_31] : memref<2x10000x64xf32, #tpu.memory_space<hbm>> -> memref<1x10000x64xf32, #tpu.memory_space<hbm>>
      %dma_wait3A_33 = tpu.memref_squeeze %dma_wait3A_32 : memref<1x10000x64xf32, #tpu.memory_space<hbm>> -> memref<10000x64xf32, #tpu.memory_space<hbm>>
      %dma_wait3A_34 = arith.constant 0 : i32
      %dma_wait3A_35 = arith.constant 0 : i32
      %dma_wait3A_36 = tpu.memref_slice %dma_wait3A_33[%dma_wait3A_34, %dma_wait3A_35] : memref<10000x64xf32, #tpu.memory_space<hbm>> -> memref<10000x64xf32, #tpu.memory_space<hbm>>
      tpu.wait_indirect_dma semaphore(%arg13 : memref<!tpu.dma_semaphore, #tpu.memory_space<semaphore_mem>>) src(%dma_wait3A_36 : memref<10000x64xf32, #tpu.memory_space<hbm>>) dst(%arg11 : memref<80x64xf32, #tpu.memory_space<vmem>>)
      %broadcast_in_dim3A = vector.broadcast %scan3A_18 : i32 to vector<16xi32>
      %add3A = arith.constant 0 : i32
      %add3A_37 = vector.broadcast %add3A : i32 to vector<16xi32>
      %add3A_38 = arith.addi %iota3A, %add3A_37 : vector<16xi32>
      %gather3A = tpu.vector_load_idx %arg10[%broadcast_in_dim3A, %add3A_38] : memref<250x80xf32, #tpu.memory_space<vmem>>[vector<16xi32>, vector<16xi32>], vector<16xf32>,
      %scan3A_39 = arith.constant 0 : i32
      %scan3A_40 = arith.constant 0 : i32
      %scan3A_41 = arith.constant 64 : i32
      %scan3A_42 = arith.addi %scan3A_40, %scan3A_41 : i32
      %scan3A_43 = arith.constant 1 : i32
      scf.for %scan3A_85 = %scan3A_40 to %scan3A_42 step %scan3A_43  : i32 {
        %broadcast_in_dim3A_86 = vector.broadcast %scan3A_85 : i32 to vector<16xi32>
        %gather3A_87 = tpu.vector_load_idx %arg11[%add3A_38, %broadcast_in_dim3A_86] : memref<80x64xf32, #tpu.memory_space<vmem>>[vector<16xi32>, vector<16xi32>], vector<16xf32>,
        %mul3A_88 = arith.mulf %gather3A_87, %gather3A : vector<16xf32>
        tpu.vector_store_idx %arg11[%add3A_38, %broadcast_in_dim3A_86], %mul3A_88 : memref<80x64xf32, #tpu.memory_space<vmem>>[vector<16xi32>, vector<16xi32>], vector<16xf32>,
      }
      %scan3A_44 = arith.constant 64 : i32
      %add3A_45 = arith.constant 16 : i32
      %add3A_46 = vector.broadcast %add3A_45 : i32 to vector<16xi32>
      %add3A_47 = arith.addi %iota3A, %add3A_46 : vector<16xi32>
      %gather3A_48 = tpu.vector_load_idx %arg10[%broadcast_in_dim3A, %add3A_47] : memref<250x80xf32, #tpu.memory_space<vmem>>[vector<16xi32>, vector<16xi32>], vector<16xf32>,
      %scan3A_49 = arith.constant 0 : i32
      %scan3A_50 = arith.constant 0 : i32
      %scan3A_51 = arith.constant 64 : i32
      %scan3A_52 = arith.addi %scan3A_50, %scan3A_51 : i32
      %scan3A_53 = arith.constant 1 : i32
      scf.for %scan3A_85 = %scan3A_50 to %scan3A_52 step %scan3A_53  : i32 {
        %broadcast_in_dim3A_86 = vector.broadcast %scan3A_85 : i32 to vector<16xi32>
        %gather3A_87 = tpu.vector_load_idx %arg11[%add3A_47, %broadcast_in_dim3A_86] : memref<80x64xf32, #tpu.memory_space<vmem>>[vector<16xi32>, vector<16xi32>], vector<16xf32>,
        %mul3A_88 = arith.mulf %gather3A_87, %gather3A_48 : vector<16xf32>
        tpu.vector_store_idx %arg11[%add3A_47, %broadcast_in_dim3A_86], %mul3A_88 : memref<80x64xf32, #tpu.memory_space<vmem>>[vector<16xi32>, vector<16xi32>], vector<16xf32>,
      }
      %scan3A_54 = arith.constant 64 : i32
      %add3A_55 = arith.constant 32 : i32
      %add3A_56 = vector.broadcast %add3A_55 : i32 to vector<16xi32>
      %add3A_57 = arith.addi %iota3A, %add3A_56 : vector<16xi32>
      %gather3A_58 = tpu.vector_load_idx %arg10[%broadcast_in_dim3A, %add3A_57] : memref<250x80xf32, #tpu.memory_space<vmem>>[vector<16xi32>, vector<16xi32>], vector<16xf32>,
      %scan3A_59 = arith.constant 0 : i32
      %scan3A_60 = arith.constant 0 : i32
      %scan3A_61 = arith.constant 64 : i32
      %scan3A_62 = arith.addi %scan3A_60, %scan3A_61 : i32
      %scan3A_63 = arith.constant 1 : i32
      scf.for %scan3A_85 = %scan3A_60 to %scan3A_62 step %scan3A_63  : i32 {
        %broadcast_in_dim3A_86 = vector.broadcast %scan3A_85 : i32 to vector<16xi32>
        %gather3A_87 = tpu.vector_load_idx %arg11[%add3A_57, %broadcast_in_dim3A_86] : memref<80x64xf32, #tpu.memory_space<vmem>>[vector<16xi32>, vector<16xi32>], vector<16xf32>,
        %mul3A_88 = arith.mulf %gather3A_87, %gather3A_58 : vector<16xf32>
        tpu.vector_store_idx %arg11[%add3A_57, %broadcast_in_dim3A_86], %mul3A_88 : memref<80x64xf32, #tpu.memory_space<vmem>>[vector<16xi32>, vector<16xi32>], vector<16xf32>,
      }
      %scan3A_64 = arith.constant 64 : i32
      %add3A_65 = arith.constant 48 : i32
      %add3A_66 = vector.broadcast %add3A_65 : i32 to vector<16xi32>
      %add3A_67 = arith.addi %iota3A, %add3A_66 : vector<16xi32>
      %gather3A_68 = tpu.vector_load_idx %arg10[%broadcast_in_dim3A, %add3A_67] : memref<250x80xf32, #tpu.memory_space<vmem>>[vector<16xi32>, vector<16xi32>], vector<16xf32>,
      %scan3A_69 = arith.constant 0 : i32
      %scan3A_70 = arith.constant 0 : i32
      %scan3A_71 = arith.constant 64 : i32
      %scan3A_72 = arith.addi %scan3A_70, %scan3A_71 : i32
      %scan3A_73 = arith.constant 1 : i32
      scf.for %scan3A_85 = %scan3A_70 to %scan3A_72 step %scan3A_73  : i32 {
        %broadcast_in_dim3A_86 = vector.broadcast %scan3A_85 : i32 to vector<16xi32>
        %gather3A_87 = tpu.vector_load_idx %arg11[%add3A_67, %broadcast_in_dim3A_86] : memref<80x64xf32, #tpu.memory_space<vmem>>[vector<16xi32>, vector<16xi32>], vector<16xf32>,
        %mul3A_88 = arith.mulf %gather3A_87, %gather3A_68 : vector<16xf32>
        tpu.vector_store_idx %arg11[%add3A_67, %broadcast_in_dim3A_86], %mul3A_88 : memref<80x64xf32, #tpu.memory_space<vmem>>[vector<16xi32>, vector<16xi32>], vector<16xf32>,
      }
      %scan3A_74 = arith.constant 64 : i32
      %add3A_75 = arith.constant 64 : i32
      %add3A_76 = vector.broadcast %add3A_75 : i32 to vector<16xi32>
      %add3A_77 = arith.addi %iota3A, %add3A_76 : vector<16xi32>
      %gather3A_78 = tpu.vector_load_idx %arg10[%broadcast_in_dim3A, %add3A_77] : memref<250x80xf32, #tpu.memory_space<vmem>>[vector<16xi32>, vector<16xi32>], vector<16xf32>,
      %scan3A_79 = arith.constant 0 : i32
      %scan3A_80 = arith.constant 0 : i32
      %scan3A_81 = arith.constant 64 : i32
      %scan3A_82 = arith.addi %scan3A_80, %scan3A_81 : i32
      %scan3A_83 = arith.constant 1 : i32
      scf.for %scan3A_85 = %scan3A_80 to %scan3A_82 step %scan3A_83  : i32 {
        %broadcast_in_dim3A_86 = vector.broadcast %scan3A_85 : i32 to vector<16xi32>
        %gather3A_87 = tpu.vector_load_idx %arg11[%add3A_77, %broadcast_in_dim3A_86] : memref<80x64xf32, #tpu.memory_space<vmem>>[vector<16xi32>, vector<16xi32>], vector<16xf32>,
        %mul3A_88 = arith.mulf %gather3A_87, %gather3A_78 : vector<16xf32>
        tpu.vector_store_idx %arg11[%add3A_77, %broadcast_in_dim3A_86], %mul3A_88 : memref<80x64xf32, #tpu.memory_space<vmem>>[vector<16xi32>, vector<16xi32>], vector<16xf32>,
      }
      %scan3A_84 = arith.constant 64 : i32
      "tpu.region"() ({
        %run_scoped3A = tpu.sem_alloc : memref<!tpu.dma_semaphore, #tpu.memory_space<semaphore_mem>>
        %dma_start3A_85 = arith.constant 0 : i32
        %dma_start3A_86 = tpu.memref_slice %arg9[%scan3A_18, %dma_start3A_85] : memref<250x80xi32, #tpu.memory_space<vmem>> -> memref<1x80xi32, #tpu.memory_space<vmem>>
        %dma_start3A_87 = tpu.memref_squeeze %dma_start3A_86 : memref<1x80xi32, #tpu.memory_space<vmem>> -> memref<80xi32, #tpu.memory_space<vmem>>
        %dma_start3A_88 = arith.constant 0 : i32
        %dma_start3A_89 = arith.constant 0 : i32
        %dma_start3A_90 = tpu.memref_slice %arg12[%dma_start3A_88, %dma_start3A_89] : memref<10000x64xf32, #tpu.memory_space<vmem_shared>> -> memref<10000x64xf32, #tpu.memory_space<vmem_shared>>
        tpu.enqueue_indirect_dma source(%arg11 : memref<80x64xf32, #tpu.memory_space<vmem>>) target(%dma_start3A_90 : memref<10000x64xf32, #tpu.memory_space<vmem_shared>>) offsets(%dma_start3A_87 : memref<80xi32, #tpu.memory_space<vmem>>) semaphore(%run_scoped3A : memref<!tpu.dma_semaphore, #tpu.memory_space<semaphore_mem>>) {add = true}
        %dma_wait3A_91 = arith.constant 0 : i32
        %dma_wait3A_92 = tpu.memref_slice %arg9[%scan3A_18, %dma_wait3A_91] : memref<250x80xi32, #tpu.memory_space<vmem>> -> memref<1x80xi32, #tpu.memory_space<vmem>>
        %dma_wait3A_93 = tpu.memref_squeeze %dma_wait3A_92 : memref<1x80xi32, #tpu.memory_space<vmem>> -> memref<80xi32, #tpu.memory_space<vmem>>
        %dma_wait3A_94 = arith.constant 0 : i32
        %dma_wait3A_95 = arith.constant 0 : i32
        %dma_wait3A_96 = tpu.memref_slice %arg12[%dma_wait3A_94, %dma_wait3A_95] : memref<10000x64xf32, #tpu.memory_space<vmem_shared>> -> memref<10000x64xf32, #tpu.memory_space<vmem_shared>>
        tpu.wait_indirect_dma semaphore(%run_scoped3A : memref<!tpu.dma_semaphore, #tpu.memory_space<semaphore_mem>>) src(%arg11 : memref<80x64xf32, #tpu.memory_space<vmem>>) dst(%dma_wait3A_96 : memref<10000x64xf32, #tpu.memory_space<vmem_shared>>)
        tpu.yield
      }) : () -> ()
    }
    %scan3A_7 = arith.constant 250 : i32
    %barrier3A_8 = arith.constant 0 : index
    tpu.barrier barrier_id(%barrier3A_8)
    %mul3A_9 = arith.constant 624 : i32
    %mul3A_10 = arith.muli %arg1, %mul3A_9 : i32
    %mul3A_11 = arith.constant 624 : i32
    %mul3A_12 = arith.muli %arg1, %mul3A_11 : i32
    "tpu.region"() ({
      %run_scoped3A = tpu.sem_alloc : memref<!tpu.dma_semaphore, #tpu.memory_space<semaphore_mem>>
      %dma_start3A = arith.constant 0 : i32
      %dma_start3A_18 = tpu.memref_slice %arg7[%arg0, %mul3A_12, %dma_start3A] : memref<2x10000x64xf32, #tpu.memory_space<hbm>> -> memref<1x624x64xf32, #tpu.memory_space<hbm>>
      %dma_start3A_19 = tpu.memref_squeeze %dma_start3A_18 : memref<1x624x64xf32, #tpu.memory_space<hbm>> -> memref<624x64xf32, #tpu.memory_space<hbm>>
      %dma_start3A_20 = arith.constant 0 : i32
      %dma_start3A_21 = tpu.memref_slice %arg12[%mul3A_10, %dma_start3A_20] : memref<10000x64xf32, #tpu.memory_space<vmem_shared>> -> memref<624x64xf32, #tpu.memory_space<vmem_shared>>
      tpu.enqueue_dma source(%dma_start3A_21 : memref<624x64xf32, #tpu.memory_space<vmem_shared>>) target(%dma_start3A_19 : memref<624x64xf32, #tpu.memory_space<hbm>>) target_semaphore(%run_scoped3A : memref<!tpu.dma_semaphore, #tpu.memory_space<semaphore_mem>>)
      %dma_wait3A = arith.constant 0 : i32
      %dma_wait3A_22 = tpu.memref_slice %arg7[%arg0, %mul3A_12, %dma_wait3A] : memref<2x10000x64xf32, #tpu.memory_space<hbm>> -> memref<1x624x64xf32, #tpu.memory_space<hbm>>
      %dma_wait3A_23 = tpu.memref_squeeze %dma_wait3A_22 : memref<1x624x64xf32, #tpu.memory_space<hbm>> -> memref<624x64xf32, #tpu.memory_space<hbm>>
      %dma_wait3A_24 = arith.constant 0 : i32
      %dma_wait3A_25 = tpu.memref_slice %arg12[%mul3A_10, %dma_wait3A_24] : memref<10000x64xf32, #tpu.memory_space<vmem_shared>> -> memref<624x64xf32, #tpu.memory_space<vmem_shared>>
      tpu.wait_dma2 semaphore(%run_scoped3A : memref<!tpu.dma_semaphore, #tpu.memory_space<semaphore_mem>>) src(%dma_wait3A_25 : memref<624x64xf32, #tpu.memory_space<vmem_shared>>) dst(%dma_wait3A_23 : memref<624x64xf32, #tpu.memory_space<hbm>>)
      tpu.yield
    }) : () -> ()
    %eq3A_13 = arith.constant 0 : i32
    %eq3A_14 = arith.cmpi eq, %arg1, %eq3A_13 : i32
    %convert_element_type3A_15 = arith.extui %eq3A_14 : i1 to i32
    %cond3A_16 = arith.constant 0 : i32
    %cond3A_17 = arith.cmpi ne, %convert_element_type3A_15, %cond3A_16 : i32
    scf.if %cond3A_17 {
      "tpu.region"() ({
        %run_scoped3A = tpu.sem_alloc : memref<!tpu.dma_semaphore, #tpu.memory_space<semaphore_mem>>
        %dma_start3A = arith.constant 9984 : i32
        %dma_start3A_18 = arith.constant 0 : i32
        %dma_start3A_19 = tpu.memref_slice %arg7[%arg0, %dma_start3A, %dma_start3A_18] : memref<2x10000x64xf32, #tpu.memory_space<hbm>> -> memref<1x16x64xf32, #tpu.memory_space<hbm>>
        %dma_start3A_20 = tpu.memref_squeeze %dma_start3A_19 : memref<1x16x64xf32, #tpu.memory_space<hbm>> -> memref<16x64xf32, #tpu.memory_space<hbm>>
        %dma_start3A_21 = arith.constant 9984 : i32
        %dma_start3A_22 = arith.constant 0 : i32
        %dma_start3A_23 = tpu.memref_slice %arg12[%dma_start3A_21, %dma_start3A_22] : memref<10000x64xf32, #tpu.memory_space<vmem_shared>> -> memref<16x64xf32, #tpu.memory_space<vmem_shared>>
        tpu.enqueue_dma source(%dma_start3A_23 : memref<16x64xf32, #tpu.memory_space<vmem_shared>>) target(%dma_start3A_20 : memref<16x64xf32, #tpu.memory_space<hbm>>) target_semaphore(%run_scoped3A : memref<!tpu.dma_semaphore, #tpu.memory_space<semaphore_mem>>)
        %dma_wait3A = arith.constant 9984 : i32
        %dma_wait3A_24 = arith.constant 0 : i32
        %dma_wait3A_25 = tpu.memref_slice %arg7[%arg0, %dma_wait3A, %dma_wait3A_24] : memref<2x10000x64xf32, #tpu.memory_space<hbm>> -> memref<1x16x64xf32, #tpu.memory_space<hbm>>
        %dma_wait3A_26 = tpu.memref_squeeze %dma_wait3A_25 : memref<1x16x64xf32, #tpu.memory_space<hbm>> -> memref<16x64xf32, #tpu.memory_space<hbm>>
        %dma_wait3A_27 = arith.constant 9984 : i32
        %dma_wait3A_28 = arith.constant 0 : i32
        %dma_wait3A_29 = tpu.memref_slice %arg12[%dma_wait3A_27, %dma_wait3A_28] : memref<10000x64xf32, #tpu.memory_space<vmem_shared>> -> memref<16x64xf32, #tpu.memory_space<vmem_shared>>
        tpu.wait_dma2 semaphore(%run_scoped3A : memref<!tpu.dma_semaphore, #tpu.memory_space<semaphore_mem>>) src(%dma_wait3A_29 : memref<16x64xf32, #tpu.memory_space<vmem_shared>>) dst(%dma_wait3A_26 : memref<16x64xf32, #tpu.memory_space<hbm>>)
        tpu.yield
      }) : () -> ()
    } else {
    }
    return
  }
}

#map = affine_map<(d0, d1) -> (0, 0)>
#map1 = affine_map<(d0, d1) -> (0, 0, 0)>
module attributes {stable_mosaic.version = 14 : i64} {
  func.func @_alpha_body(%arg0: i32, %arg1: i32, %arg2: memref<10000x128xf32, #tpu.memory_space<hbm>>, %arg3: memref<10000x128xf32, #tpu.memory_space<hbm>>, %arg4: memref<32x125x80xi32, #tpu.memory_space<hbm>>, %arg5: memref<32x125x80xi32, #tpu.memory_space<hbm>>, %arg6: memref<1x10000xf32, #tpu.memory_space<hbm>>, %arg7: memref<32x125x80xf32, #tpu.memory_space<hbm>>, %arg8: memref<32x1x10000xf32, #tpu.memory_space<hbm>>, %arg9: memref<125x80xi32, #tpu.memory_space<vmem>>, %arg10: memref<125x80xi32, #tpu.memory_space<vmem>>, %arg11: memref<80x128xf32, #tpu.memory_space<vmem>>, %arg12: memref<80x128xf32, #tpu.memory_space<vmem>>, %arg13: memref<80xf32, #tpu.memory_space<vmem>>, %arg14: memref<1x10000xf32, #tpu.memory_space<vmem>>, %arg15: memref<!tpu.dma_semaphore, #tpu.memory_space<semaphore_mem>>) attributes {dimension_semantics = [#tpu.dimension_semantics<core_parallel>, #tpu.dimension_semantics<subcore_parallel>], iteration_bounds = array<i64: 2, 16>, scalar_prefetch = 0 : i64, scratch_operands = 7 : i64, tpu.core_type = #tpu.core_type<sc_vector_subcore>, window_params = [{transform_indices = #map}, {transform_indices = #map}, {transform_indices = #map1}, {transform_indices = #map1}, {transform_indices = #map}, {transform_indices = #map1}, {transform_indices = #map1}]} {
    %mul3A = arith.constant 2 : i32
    %mul3A_0 = arith.muli %arg1, %mul3A : i32
    %add3A = arith.addi %mul3A_0, %arg0 : i32
    "tpu.region"() ({
      %run_scoped3A = tpu.sem_alloc : memref<!tpu.dma_semaphore, #tpu.memory_space<semaphore_mem>>
      %dma_start3A = arith.constant 0 : i32
      %dma_start3A_6 = arith.constant 0 : i32
      %dma_start3A_7 = tpu.memref_slice %arg4[%add3A, %dma_start3A, %dma_start3A_6] : memref<32x125x80xi32, #tpu.memory_space<hbm>> -> memref<1x125x80xi32, #tpu.memory_space<hbm>>
      %dma_start3A_8 = tpu.memref_squeeze %dma_start3A_7 : memref<1x125x80xi32, #tpu.memory_space<hbm>> -> memref<125x80xi32, #tpu.memory_space<hbm>>
      %dma_start3A_9 = arith.constant 0 : i32
      %dma_start3A_10 = arith.constant 0 : i32
      %dma_start3A_11 = tpu.memref_slice %arg4[%add3A, %dma_start3A_9, %dma_start3A_10] : memref<32x125x80xi32, #tpu.memory_space<hbm>> -> memref<1x125x80xi32, #tpu.memory_space<hbm>>
      %dma_start3A_12 = tpu.memref_squeeze %dma_start3A_11 : memref<1x125x80xi32, #tpu.memory_space<hbm>> -> memref<125x80xi32, #tpu.memory_space<hbm>>
      tpu.enqueue_dma source(%dma_start3A_12 : memref<125x80xi32, #tpu.memory_space<hbm>>) target(%arg9 : memref<125x80xi32, #tpu.memory_space<vmem>>) target_semaphore(%run_scoped3A : memref<!tpu.dma_semaphore, #tpu.memory_space<semaphore_mem>>)
      %dma_wait3A = arith.constant 0 : i32
      %dma_wait3A_13 = arith.constant 0 : i32
      %dma_wait3A_14 = tpu.memref_slice %arg4[%add3A, %dma_wait3A, %dma_wait3A_13] : memref<32x125x80xi32, #tpu.memory_space<hbm>> -> memref<1x125x80xi32, #tpu.memory_space<hbm>>
      %dma_wait3A_15 = tpu.memref_squeeze %dma_wait3A_14 : memref<1x125x80xi32, #tpu.memory_space<hbm>> -> memref<125x80xi32, #tpu.memory_space<hbm>>
      %dma_wait3A_16 = arith.constant 0 : i32
      %dma_wait3A_17 = arith.constant 0 : i32
      %dma_wait3A_18 = tpu.memref_slice %arg4[%add3A, %dma_wait3A_16, %dma_wait3A_17] : memref<32x125x80xi32, #tpu.memory_space<hbm>> -> memref<1x125x80xi32, #tpu.memory_space<hbm>>
      %dma_wait3A_19 = tpu.memref_squeeze %dma_wait3A_18 : memref<1x125x80xi32, #tpu.memory_space<hbm>> -> memref<125x80xi32, #tpu.memory_space<hbm>>
      tpu.wait_dma2 semaphore(%run_scoped3A : memref<!tpu.dma_semaphore, #tpu.memory_space<semaphore_mem>>) src(%dma_wait3A_19 : memref<125x80xi32, #tpu.memory_space<hbm>>) dst(%arg9 : memref<125x80xi32, #tpu.memory_space<vmem>>)
      tpu.yield
    }) : () -> ()
    "tpu.region"() ({
      %run_scoped3A = tpu.sem_alloc : memref<!tpu.dma_semaphore, #tpu.memory_space<semaphore_mem>>
      %dma_start3A = arith.constant 0 : i32
      %dma_start3A_6 = arith.constant 0 : i32
      %dma_start3A_7 = tpu.memref_slice %arg5[%add3A, %dma_start3A, %dma_start3A_6] : memref<32x125x80xi32, #tpu.memory_space<hbm>> -> memref<1x125x80xi32, #tpu.memory_space<hbm>>
      %dma_start3A_8 = tpu.memref_squeeze %dma_start3A_7 : memref<1x125x80xi32, #tpu.memory_space<hbm>> -> memref<125x80xi32, #tpu.memory_space<hbm>>
      %dma_start3A_9 = arith.constant 0 : i32
      %dma_start3A_10 = arith.constant 0 : i32
      %dma_start3A_11 = tpu.memref_slice %arg5[%add3A, %dma_start3A_9, %dma_start3A_10] : memref<32x125x80xi32, #tpu.memory_space<hbm>> -> memref<1x125x80xi32, #tpu.memory_space<hbm>>
      %dma_start3A_12 = tpu.memref_squeeze %dma_start3A_11 : memref<1x125x80xi32, #tpu.memory_space<hbm>> -> memref<125x80xi32, #tpu.memory_space<hbm>>
      tpu.enqueue_dma source(%dma_start3A_12 : memref<125x80xi32, #tpu.memory_space<hbm>>) target(%arg10 : memref<125x80xi32, #tpu.memory_space<vmem>>) target_semaphore(%run_scoped3A : memref<!tpu.dma_semaphore, #tpu.memory_space<semaphore_mem>>)
      %dma_wait3A = arith.constant 0 : i32
      %dma_wait3A_13 = arith.constant 0 : i32
      %dma_wait3A_14 = tpu.memref_slice %arg5[%add3A, %dma_wait3A, %dma_wait3A_13] : memref<32x125x80xi32, #tpu.memory_space<hbm>> -> memref<1x125x80xi32, #tpu.memory_space<hbm>>
      %dma_wait3A_15 = tpu.memref_squeeze %dma_wait3A_14 : memref<1x125x80xi32, #tpu.memory_space<hbm>> -> memref<125x80xi32, #tpu.memory_space<hbm>>
      %dma_wait3A_16 = arith.constant 0 : i32
      %dma_wait3A_17 = arith.constant 0 : i32
      %dma_wait3A_18 = tpu.memref_slice %arg5[%add3A, %dma_wait3A_16, %dma_wait3A_17] : memref<32x125x80xi32, #tpu.memory_space<hbm>> -> memref<1x125x80xi32, #tpu.memory_space<hbm>>
      %dma_wait3A_19 = tpu.memref_squeeze %dma_wait3A_18 : memref<1x125x80xi32, #tpu.memory_space<hbm>> -> memref<125x80xi32, #tpu.memory_space<hbm>>
      tpu.wait_dma2 semaphore(%run_scoped3A : memref<!tpu.dma_semaphore, #tpu.memory_space<semaphore_mem>>) src(%dma_wait3A_19 : memref<125x80xi32, #tpu.memory_space<hbm>>) dst(%arg10 : memref<125x80xi32, #tpu.memory_space<vmem>>)
      tpu.yield
    }) : () -> ()
    "tpu.region"() ({
      %run_scoped3A = tpu.sem_alloc : memref<!tpu.dma_semaphore, #tpu.memory_space<semaphore_mem>>
      tpu.enqueue_dma source(%arg6 : memref<1x10000xf32, #tpu.memory_space<hbm>>) target(%arg14 : memref<1x10000xf32, #tpu.memory_space<vmem>>) target_semaphore(%run_scoped3A : memref<!tpu.dma_semaphore, #tpu.memory_space<semaphore_mem>>)
      tpu.wait_dma2 semaphore(%run_scoped3A : memref<!tpu.dma_semaphore, #tpu.memory_space<semaphore_mem>>) src(%arg6 : memref<1x10000xf32, #tpu.memory_space<hbm>>) dst(%arg14 : memref<1x10000xf32, #tpu.memory_space<vmem>>)
      tpu.yield
    }) : () -> ()
    %iota3A = tpu.iota {dimensions = array<i32: 0>} : vector<16xi32>
    %scan3A = arith.constant 0 : i32
    %scan3A_1 = arith.constant 0 : i32
    %scan3A_2 = arith.constant 125 : i32
    %scan3A_3 = arith.addi %scan3A_1, %scan3A_2 : i32
    %scan3A_4 = arith.constant 1 : i32
    scf.for %scan3A_6 = %scan3A_1 to %scan3A_3 step %scan3A_4  : i32 {
      %dma_start3A = arith.constant 0 : i32
      %dma_start3A_7 = tpu.memref_slice %arg10[%scan3A_6, %dma_start3A] : memref<125x80xi32, #tpu.memory_space<vmem>> -> memref<1x80xi32, #tpu.memory_space<vmem>>
      %dma_start3A_8 = tpu.memref_squeeze %dma_start3A_7 : memref<1x80xi32, #tpu.memory_space<vmem>> -> memref<80xi32, #tpu.memory_space<vmem>>
      %dma_start3A_9 = arith.constant 0 : i32
      %dma_start3A_10 = arith.constant 0 : i32
      %dma_start3A_11 = tpu.memref_slice %arg2[%dma_start3A_9, %dma_start3A_10] : memref<10000x128xf32, #tpu.memory_space<hbm>> -> memref<10000x128xf32, #tpu.memory_space<hbm>>
      tpu.enqueue_indirect_dma source(%dma_start3A_11 : memref<10000x128xf32, #tpu.memory_space<hbm>>) target(%arg11 : memref<80x128xf32, #tpu.memory_space<vmem>>) offsets(%dma_start3A_8 : memref<80xi32, #tpu.memory_space<vmem>>) semaphore(%arg15 : memref<!tpu.dma_semaphore, #tpu.memory_space<semaphore_mem>>)
      %dma_start3A_12 = arith.constant 0 : i32
      %dma_start3A_13 = tpu.memref_slice %arg9[%scan3A_6, %dma_start3A_12] : memref<125x80xi32, #tpu.memory_space<vmem>> -> memref<1x80xi32, #tpu.memory_space<vmem>>
      %dma_start3A_14 = tpu.memref_squeeze %dma_start3A_13 : memref<1x80xi32, #tpu.memory_space<vmem>> -> memref<80xi32, #tpu.memory_space<vmem>>
      %dma_start3A_15 = arith.constant 0 : i32
      %dma_start3A_16 = arith.constant 0 : i32
      %dma_start3A_17 = tpu.memref_slice %arg3[%dma_start3A_15, %dma_start3A_16] : memref<10000x128xf32, #tpu.memory_space<hbm>> -> memref<10000x128xf32, #tpu.memory_space<hbm>>
      tpu.enqueue_indirect_dma source(%dma_start3A_17 : memref<10000x128xf32, #tpu.memory_space<hbm>>) target(%arg12 : memref<80x128xf32, #tpu.memory_space<vmem>>) offsets(%dma_start3A_14 : memref<80xi32, #tpu.memory_space<vmem>>) semaphore(%arg15 : memref<!tpu.dma_semaphore, #tpu.memory_space<semaphore_mem>>)
      %dma_wait3A = arith.constant 0 : i32
      %dma_wait3A_18 = tpu.memref_slice %arg10[%scan3A_6, %dma_wait3A] : memref<125x80xi32, #tpu.memory_space<vmem>> -> memref<1x80xi32, #tpu.memory_space<vmem>>
      %dma_wait3A_19 = tpu.memref_squeeze %dma_wait3A_18 : memref<1x80xi32, #tpu.memory_space<vmem>> -> memref<80xi32, #tpu.memory_space<vmem>>
      %dma_wait3A_20 = arith.constant 0 : i32
      %dma_wait3A_21 = arith.constant 0 : i32
      %dma_wait3A_22 = tpu.memref_slice %arg2[%dma_wait3A_20, %dma_wait3A_21] : memref<10000x128xf32, #tpu.memory_space<hbm>> -> memref<10000x128xf32, #tpu.memory_space<hbm>>
      tpu.wait_indirect_dma semaphore(%arg15 : memref<!tpu.dma_semaphore, #tpu.memory_space<semaphore_mem>>) src(%dma_wait3A_22 : memref<10000x128xf32, #tpu.memory_space<hbm>>) dst(%arg11 : memref<80x128xf32, #tpu.memory_space<vmem>>)
      %dma_wait3A_23 = arith.constant 0 : i32
      %dma_wait3A_24 = tpu.memref_slice %arg9[%scan3A_6, %dma_wait3A_23] : memref<125x80xi32, #tpu.memory_space<vmem>> -> memref<1x80xi32, #tpu.memory_space<vmem>>
      %dma_wait3A_25 = tpu.memref_squeeze %dma_wait3A_24 : memref<1x80xi32, #tpu.memory_space<vmem>> -> memref<80xi32, #tpu.memory_space<vmem>>
      %dma_wait3A_26 = arith.constant 0 : i32
      %dma_wait3A_27 = arith.constant 0 : i32
      %dma_wait3A_28 = tpu.memref_slice %arg3[%dma_wait3A_26, %dma_wait3A_27] : memref<10000x128xf32, #tpu.memory_space<hbm>> -> memref<10000x128xf32, #tpu.memory_space<hbm>>
      tpu.wait_indirect_dma semaphore(%arg15 : memref<!tpu.dma_semaphore, #tpu.memory_space<semaphore_mem>>) src(%dma_wait3A_28 : memref<10000x128xf32, #tpu.memory_space<hbm>>) dst(%arg12 : memref<80x128xf32, #tpu.memory_space<vmem>>)
      %add3A_29 = arith.constant 0 : i32
      %add3A_30 = vector.broadcast %add3A_29 : i32 to vector<16xi32>
      %add3A_31 = arith.addi %iota3A, %add3A_30 : vector<16xi32>
      %broadcast_in_dim3A = arith.constant 0.000000e+00 : f32
      %broadcast_in_dim3A_32 = vector.broadcast %broadcast_in_dim3A : f32 to vector<16xf32>
      %scan3A_33 = arith.constant 0 : i32
      %scan3A_34 = arith.constant 128 : i32
      %scan3A_35 = arith.addi %scan3A_33, %scan3A_34 : i32
      %scan3A_36 = arith.constant 1 : i32
      %scan3A_37 = scf.for %scan3A_115 = %scan3A_33 to %scan3A_35 step %scan3A_36 iter_args(%scan3A_116 = %broadcast_in_dim3A_32) -> (vector<16xf32>)  : i32 {
        %broadcast_in_dim3A_117 = vector.broadcast %scan3A_115 : i32 to vector<16xi32>
        %gather3A_118 = tpu.vector_load_idx %arg11[%add3A_31, %broadcast_in_dim3A_117] : memref<80x128xf32, #tpu.memory_space<vmem>>[vector<16xi32>, vector<16xi32>], vector<16xf32>,
        %gather3A_119 = tpu.vector_load_idx %arg12[%add3A_31, %broadcast_in_dim3A_117] : memref<80x128xf32, #tpu.memory_space<vmem>>[vector<16xi32>, vector<16xi32>], vector<16xf32>,
        %mul3A_120 = arith.mulf %gather3A_118, %gather3A_119 : vector<16xf32>
        %add3A_121 = arith.addf %scan3A_116, %mul3A_120 : vector<16xf32>
        scf.yield %add3A_121 : vector<16xf32>
      }
      %scan3A_38 = arith.constant 128 : i32
      %exp3A = math.exp %scan3A_37 : vector<16xf32>
      %swap3A = arith.constant 0 : index
      %swap3A_39 = tpu.vector_load %arg13[%swap3A] {strides = array<i32>} : memref<80xf32, #tpu.memory_space<vmem>>, vector<16xf32>,
      tpu.vector_store %arg13[%swap3A], %exp3A {strides = array<i32>} : memref<80xf32, #tpu.memory_space<vmem>>, vector<16xf32>,
      %broadcast_in_dim3A_40 = vector.broadcast %scan3A_6 : i32 to vector<16xi32>
      %gather3A = tpu.vector_load_idx %arg10[%broadcast_in_dim3A_40, %add3A_31] : memref<125x80xi32, #tpu.memory_space<vmem>>[vector<16xi32>, vector<16xi32>], vector<16xi32>,
      %broadcast_in_dim3A_41 = arith.constant 0 : i32
      %broadcast_in_dim3A_42 = vector.broadcast %broadcast_in_dim3A_41 : i32 to vector<16xi32>
      tpu.vector_store_idx %arg14[%broadcast_in_dim3A_42, %gather3A], %exp3A {add = true} : memref<1x10000xf32, #tpu.memory_space<vmem>>[vector<16xi32>, vector<16xi32>], vector<16xf32>,
      %add3A_43 = arith.constant 16 : i32
      %add3A_44 = vector.broadcast %add3A_43 : i32 to vector<16xi32>
      %add3A_45 = arith.addi %iota3A, %add3A_44 : vector<16xi32>
      %broadcast_in_dim3A_46 = arith.constant 0.000000e+00 : f32
      %broadcast_in_dim3A_47 = vector.broadcast %broadcast_in_dim3A_46 : f32 to vector<16xf32>
      %scan3A_48 = arith.constant 0 : i32
      %scan3A_49 = arith.constant 128 : i32
      %scan3A_50 = arith.addi %scan3A_48, %scan3A_49 : i32
      %scan3A_51 = arith.constant 1 : i32
      %scan3A_52 = scf.for %scan3A_115 = %scan3A_48 to %scan3A_50 step %scan3A_51 iter_args(%scan3A_116 = %broadcast_in_dim3A_47) -> (vector<16xf32>)  : i32 {
        %broadcast_in_dim3A_117 = vector.broadcast %scan3A_115 : i32 to vector<16xi32>
        %gather3A_118 = tpu.vector_load_idx %arg11[%add3A_45, %broadcast_in_dim3A_117] : memref<80x128xf32, #tpu.memory_space<vmem>>[vector<16xi32>, vector<16xi32>], vector<16xf32>,
        %gather3A_119 = tpu.vector_load_idx %arg12[%add3A_45, %broadcast_in_dim3A_117] : memref<80x128xf32, #tpu.memory_space<vmem>>[vector<16xi32>, vector<16xi32>], vector<16xf32>,
        %mul3A_120 = arith.mulf %gather3A_118, %gather3A_119 : vector<16xf32>
        %add3A_121 = arith.addf %scan3A_116, %mul3A_120 : vector<16xf32>
        scf.yield %add3A_121 : vector<16xf32>
      }
      %scan3A_53 = arith.constant 128 : i32
      %exp3A_54 = math.exp %scan3A_52 : vector<16xf32>
      %swap3A_55 = arith.constant 16 : index
      %swap3A_56 = tpu.vector_load %arg13[%swap3A_55] {strides = array<i32>} : memref<80xf32, #tpu.memory_space<vmem>>, vector<16xf32>,
      tpu.vector_store %arg13[%swap3A_55], %exp3A_54 {strides = array<i32>} : memref<80xf32, #tpu.memory_space<vmem>>, vector<16xf32>,
      %broadcast_in_dim3A_57 = vector.broadcast %scan3A_6 : i32 to vector<16xi32>
      %gather3A_58 = tpu.vector_load_idx %arg10[%broadcast_in_dim3A_57, %add3A_45] : memref<125x80xi32, #tpu.memory_space<vmem>>[vector<16xi32>, vector<16xi32>], vector<16xi32>,
      %broadcast_in_dim3A_59 = arith.constant 0 : i32
      %broadcast_in_dim3A_60 = vector.broadcast %broadcast_in_dim3A_59 : i32 to vector<16xi32>
      tpu.vector_store_idx %arg14[%broadcast_in_dim3A_60, %gather3A_58], %exp3A_54 {add = true} : memref<1x10000xf32, #tpu.memory_space<vmem>>[vector<16xi32>, vector<16xi32>], vector<16xf32>,
      %add3A_61 = arith.constant 32 : i32
      %add3A_62 = vector.broadcast %add3A_61 : i32 to vector<16xi32>
      %add3A_63 = arith.addi %iota3A, %add3A_62 : vector<16xi32>
      %broadcast_in_dim3A_64 = arith.constant 0.000000e+00 : f32
      %broadcast_in_dim3A_65 = vector.broadcast %broadcast_in_dim3A_64 : f32 to vector<16xf32>
      %scan3A_66 = arith.constant 0 : i32
      %scan3A_67 = arith.constant 128 : i32
      %scan3A_68 = arith.addi %scan3A_66, %scan3A_67 : i32
      %scan3A_69 = arith.constant 1 : i32
      %scan3A_70 = scf.for %scan3A_115 = %scan3A_66 to %scan3A_68 step %scan3A_69 iter_args(%scan3A_116 = %broadcast_in_dim3A_65) -> (vector<16xf32>)  : i32 {
        %broadcast_in_dim3A_117 = vector.broadcast %scan3A_115 : i32 to vector<16xi32>
        %gather3A_118 = tpu.vector_load_idx %arg11[%add3A_63, %broadcast_in_dim3A_117] : memref<80x128xf32, #tpu.memory_space<vmem>>[vector<16xi32>, vector<16xi32>], vector<16xf32>,
        %gather3A_119 = tpu.vector_load_idx %arg12[%add3A_63, %broadcast_in_dim3A_117] : memref<80x128xf32, #tpu.memory_space<vmem>>[vector<16xi32>, vector<16xi32>], vector<16xf32>,
        %mul3A_120 = arith.mulf %gather3A_118, %gather3A_119 : vector<16xf32>
        %add3A_121 = arith.addf %scan3A_116, %mul3A_120 : vector<16xf32>
        scf.yield %add3A_121 : vector<16xf32>
      }
      %scan3A_71 = arith.constant 128 : i32
      %exp3A_72 = math.exp %scan3A_70 : vector<16xf32>
      %swap3A_73 = arith.constant 32 : index
      %swap3A_74 = tpu.vector_load %arg13[%swap3A_73] {strides = array<i32>} : memref<80xf32, #tpu.memory_space<vmem>>, vector<16xf32>,
      tpu.vector_store %arg13[%swap3A_73], %exp3A_72 {strides = array<i32>} : memref<80xf32, #tpu.memory_space<vmem>>, vector<16xf32>,
      %broadcast_in_dim3A_75 = vector.broadcast %scan3A_6 : i32 to vector<16xi32>
      %gather3A_76 = tpu.vector_load_idx %arg10[%broadcast_in_dim3A_75, %add3A_63] : memref<125x80xi32, #tpu.memory_space<vmem>>[vector<16xi32>, vector<16xi32>], vector<16xi32>,
      %broadcast_in_dim3A_77 = arith.constant 0 : i32
      %broadcast_in_dim3A_78 = vector.broadcast %broadcast_in_dim3A_77 : i32 to vector<16xi32>
      tpu.vector_store_idx %arg14[%broadcast_in_dim3A_78, %gather3A_76], %exp3A_72 {add = true} : memref<1x10000xf32, #tpu.memory_space<vmem>>[vector<16xi32>, vector<16xi32>], vector<16xf32>,
      %add3A_79 = arith.constant 48 : i32
      %add3A_80 = vector.broadcast %add3A_79 : i32 to vector<16xi32>
      %add3A_81 = arith.addi %iota3A, %add3A_80 : vector<16xi32>
      %broadcast_in_dim3A_82 = arith.constant 0.000000e+00 : f32
      %broadcast_in_dim3A_83 = vector.broadcast %broadcast_in_dim3A_82 : f32 to vector<16xf32>
      %scan3A_84 = arith.constant 0 : i32
      %scan3A_85 = arith.constant 128 : i32
      %scan3A_86 = arith.addi %scan3A_84, %scan3A_85 : i32
      %scan3A_87 = arith.constant 1 : i32
      %scan3A_88 = scf.for %scan3A_115 = %scan3A_84 to %scan3A_86 step %scan3A_87 iter_args(%scan3A_116 = %broadcast_in_dim3A_83) -> (vector<16xf32>)  : i32 {
        %broadcast_in_dim3A_117 = vector.broadcast %scan3A_115 : i32 to vector<16xi32>
        %gather3A_118 = tpu.vector_load_idx %arg11[%add3A_81, %broadcast_in_dim3A_117] : memref<80x128xf32, #tpu.memory_space<vmem>>[vector<16xi32>, vector<16xi32>], vector<16xf32>,
        %gather3A_119 = tpu.vector_load_idx %arg12[%add3A_81, %broadcast_in_dim3A_117] : memref<80x128xf32, #tpu.memory_space<vmem>>[vector<16xi32>, vector<16xi32>], vector<16xf32>,
        %mul3A_120 = arith.mulf %gather3A_118, %gather3A_119 : vector<16xf32>
        %add3A_121 = arith.addf %scan3A_116, %mul3A_120 : vector<16xf32>
        scf.yield %add3A_121 : vector<16xf32>
      }
      %scan3A_89 = arith.constant 128 : i32
      %exp3A_90 = math.exp %scan3A_88 : vector<16xf32>
      %swap3A_91 = arith.constant 48 : index
      %swap3A_92 = tpu.vector_load %arg13[%swap3A_91] {strides = array<i32>} : memref<80xf32, #tpu.memory_space<vmem>>, vector<16xf32>,
      tpu.vector_store %arg13[%swap3A_91], %exp3A_90 {strides = array<i32>} : memref<80xf32, #tpu.memory_space<vmem>>, vector<16xf32>,
      %broadcast_in_dim3A_93 = vector.broadcast %scan3A_6 : i32 to vector<16xi32>
      %gather3A_94 = tpu.vector_load_idx %arg10[%broadcast_in_dim3A_93, %add3A_81] : memref<125x80xi32, #tpu.memory_space<vmem>>[vector<16xi32>, vector<16xi32>], vector<16xi32>,
      %broadcast_in_dim3A_95 = arith.constant 0 : i32
      %broadcast_in_dim3A_96 = vector.broadcast %broadcast_in_dim3A_95 : i32 to vector<16xi32>
      tpu.vector_store_idx %arg14[%broadcast_in_dim3A_96, %gather3A_94], %exp3A_90 {add = true} : memref<1x10000xf32, #tpu.memory_space<vmem>>[vector<16xi32>, vector<16xi32>], vector<16xf32>,
      %add3A_97 = arith.constant 64 : i32
      %add3A_98 = vector.broadcast %add3A_97 : i32 to vector<16xi32>
      %add3A_99 = arith.addi %iota3A, %add3A_98 : vector<16xi32>
      %broadcast_in_dim3A_100 = arith.constant 0.000000e+00 : f32
      %broadcast_in_dim3A_101 = vector.broadcast %broadcast_in_dim3A_100 : f32 to vector<16xf32>
      %scan3A_102 = arith.constant 0 : i32
      %scan3A_103 = arith.constant 128 : i32
      %scan3A_104 = arith.addi %scan3A_102, %scan3A_103 : i32
      %scan3A_105 = arith.constant 1 : i32
      %scan3A_106 = scf.for %scan3A_115 = %scan3A_102 to %scan3A_104 step %scan3A_105 iter_args(%scan3A_116 = %broadcast_in_dim3A_101) -> (vector<16xf32>)  : i32 {
        %broadcast_in_dim3A_117 = vector.broadcast %scan3A_115 : i32 to vector<16xi32>
        %gather3A_118 = tpu.vector_load_idx %arg11[%add3A_99, %broadcast_in_dim3A_117] : memref<80x128xf32, #tpu.memory_space<vmem>>[vector<16xi32>, vector<16xi32>], vector<16xf32>,
        %gather3A_119 = tpu.vector_load_idx %arg12[%add3A_99, %broadcast_in_dim3A_117] : memref<80x128xf32, #tpu.memory_space<vmem>>[vector<16xi32>, vector<16xi32>], vector<16xf32>,
        %mul3A_120 = arith.mulf %gather3A_118, %gather3A_119 : vector<16xf32>
        %add3A_121 = arith.addf %scan3A_116, %mul3A_120 : vector<16xf32>
        scf.yield %add3A_121 : vector<16xf32>
      }
      %scan3A_107 = arith.constant 128 : i32
      %exp3A_108 = math.exp %scan3A_106 : vector<16xf32>
      %swap3A_109 = arith.constant 64 : index
      %swap3A_110 = tpu.vector_load %arg13[%swap3A_109] {strides = array<i32>} : memref<80xf32, #tpu.memory_space<vmem>>, vector<16xf32>,
      tpu.vector_store %arg13[%swap3A_109], %exp3A_108 {strides = array<i32>} : memref<80xf32, #tpu.memory_space<vmem>>, vector<16xf32>,
      %broadcast_in_dim3A_111 = vector.broadcast %scan3A_6 : i32 to vector<16xi32>
      %gather3A_112 = tpu.vector_load_idx %arg10[%broadcast_in_dim3A_111, %add3A_99] : memref<125x80xi32, #tpu.memory_space<vmem>>[vector<16xi32>, vector<16xi32>], vector<16xi32>,
      %broadcast_in_dim3A_113 = arith.constant 0 : i32
      %broadcast_in_dim3A_114 = vector.broadcast %broadcast_in_dim3A_113 : i32 to vector<16xi32>
      tpu.vector_store_idx %arg14[%broadcast_in_dim3A_114, %gather3A_112], %exp3A_108 {add = true} : memref<1x10000xf32, #tpu.memory_space<vmem>>[vector<16xi32>, vector<16xi32>], vector<16xf32>,
      "tpu.region"() ({
        %run_scoped3A = tpu.sem_alloc : memref<!tpu.dma_semaphore, #tpu.memory_space<semaphore_mem>>
        %dma_start3A_115 = arith.constant 0 : i32
        %dma_start3A_116 = tpu.memref_slice %arg7[%add3A, %scan3A_6, %dma_start3A_115] : memref<32x125x80xf32, #tpu.memory_space<hbm>> -> memref<1x1x80xf32, #tpu.memory_space<hbm>>
        %dma_start3A_117 = tpu.memref_squeeze %dma_start3A_116 : memref<1x1x80xf32, #tpu.memory_space<hbm>> -> memref<80xf32, #tpu.memory_space<hbm>>
        %dma_start3A_118 = arith.constant 0 : i32
        %dma_start3A_119 = tpu.memref_slice %arg7[%add3A, %scan3A_6, %dma_start3A_118] : memref<32x125x80xf32, #tpu.memory_space<hbm>> -> memref<1x1x80xf32, #tpu.memory_space<hbm>>
        %dma_start3A_120 = tpu.memref_squeeze %dma_start3A_119 : memref<1x1x80xf32, #tpu.memory_space<hbm>> -> memref<80xf32, #tpu.memory_space<hbm>>
        tpu.enqueue_dma source(%arg13 : memref<80xf32, #tpu.memory_space<vmem>>) target(%dma_start3A_120 : memref<80xf32, #tpu.memory_space<hbm>>) target_semaphore(%run_scoped3A : memref<!tpu.dma_semaphore, #tpu.memory_space<semaphore_mem>>)
        %dma_wait3A_121 = arith.constant 0 : i32
        %dma_wait3A_122 = tpu.memref_slice %arg7[%add3A, %scan3A_6, %dma_wait3A_121] : memref<32x125x80xf32, #tpu.memory_space<hbm>> -> memref<1x1x80xf32, #tpu.memory_space<hbm>>
        %dma_wait3A_123 = tpu.memref_squeeze %dma_wait3A_122 : memref<1x1x80xf32, #tpu.memory_space<hbm>> -> memref<80xf32, #tpu.memory_space<hbm>>
        %dma_wait3A_124 = arith.constant 0 : i32
        %dma_wait3A_125 = tpu.memref_slice %arg7[%add3A, %scan3A_6, %dma_wait3A_124] : memref<32x125x80xf32, #tpu.memory_space<hbm>> -> memref<1x1x80xf32, #tpu.memory_space<hbm>>
        %dma_wait3A_126 = tpu.memref_squeeze %dma_wait3A_125 : memref<1x1x80xf32, #tpu.memory_space<hbm>> -> memref<80xf32, #tpu.memory_space<hbm>>
        tpu.wait_dma2 semaphore(%run_scoped3A : memref<!tpu.dma_semaphore, #tpu.memory_space<semaphore_mem>>) src(%arg13 : memref<80xf32, #tpu.memory_space<vmem>>) dst(%dma_wait3A_126 : memref<80xf32, #tpu.memory_space<hbm>>)
        tpu.yield
      }) : () -> ()
    }
    %scan3A_5 = arith.constant 125 : i32
    "tpu.region"() ({
      %run_scoped3A = tpu.sem_alloc : memref<!tpu.dma_semaphore, #tpu.memory_space<semaphore_mem>>
      %dma_start3A = arith.constant 0 : i32
      %dma_start3A_6 = arith.constant 0 : i32
      %dma_start3A_7 = tpu.memref_slice %arg8[%add3A, %dma_start3A, %dma_start3A_6] : memref<32x1x10000xf32, #tpu.memory_space<hbm>> -> memref<1x1x10000xf32, #tpu.memory_space<hbm>>
      %dma_start3A_8 = tpu.memref_squeeze %dma_start3A_7 : memref<1x1x10000xf32, #tpu.memory_space<hbm>> -> memref<1x10000xf32, #tpu.memory_space<hbm>>
      %dma_start3A_9 = arith.constant 0 : i32
      %dma_start3A_10 = arith.constant 0 : i32
      %dma_start3A_11 = tpu.memref_slice %arg8[%add3A, %dma_start3A_9, %dma_start3A_10] : memref<32x1x10000xf32, #tpu.memory_space<hbm>> -> memref<1x1x10000xf32, #tpu.memory_space<hbm>>
      %dma_start3A_12 = tpu.memref_squeeze %dma_start3A_11 : memref<1x1x10000xf32, #tpu.memory_space<hbm>> -> memref<1x10000xf32, #tpu.memory_space<hbm>>
      tpu.enqueue_dma source(%arg14 : memref<1x10000xf32, #tpu.memory_space<vmem>>) target(%dma_start3A_12 : memref<1x10000xf32, #tpu.memory_space<hbm>>) target_semaphore(%run_scoped3A : memref<!tpu.dma_semaphore, #tpu.memory_space<semaphore_mem>>)
      %dma_wait3A = arith.constant 0 : i32
      %dma_wait3A_13 = arith.constant 0 : i32
      %dma_wait3A_14 = tpu.memref_slice %arg8[%add3A, %dma_wait3A, %dma_wait3A_13] : memref<32x1x10000xf32, #tpu.memory_space<hbm>> -> memref<1x1x10000xf32, #tpu.memory_space<hbm>>
      %dma_wait3A_15 = tpu.memref_squeeze %dma_wait3A_14 : memref<1x1x10000xf32, #tpu.memory_space<hbm>> -> memref<1x10000xf32, #tpu.memory_space<hbm>>
      %dma_wait3A_16 = arith.constant 0 : i32
      %dma_wait3A_17 = arith.constant 0 : i32
      %dma_wait3A_18 = tpu.memref_slice %arg8[%add3A, %dma_wait3A_16, %dma_wait3A_17] : memref<32x1x10000xf32, #tpu.memory_space<hbm>> -> memref<1x1x10000xf32, #tpu.memory_space<hbm>>
      %dma_wait3A_19 = tpu.memref_squeeze %dma_wait3A_18 : memref<1x1x10000xf32, #tpu.memory_space<hbm>> -> memref<1x10000xf32, #tpu.memory_space<hbm>>
      tpu.wait_dma2 semaphore(%run_scoped3A : memref<!tpu.dma_semaphore, #tpu.memory_space<semaphore_mem>>) src(%arg14 : memref<1x10000xf32, #tpu.memory_space<vmem>>) dst(%dma_wait3A_19 : memref<1x10000xf32, #tpu.memory_space<hbm>>)
      tpu.yield
    }) : () -> ()
    return
  }
}

module attributes {stable_mosaic.version = 14 : i64} {
  func.func @_proj_body(%arg0: i32, %arg1: memref<2000x128xf32, #tpu.memory_space<vmem>>, %arg2: memref<128x512xf32, #tpu.memory_space<vmem>>, %arg3: memref<1x512xf32, #tpu.memory_space<vmem>>, %arg4: memref<2000x128xf32, #tpu.memory_space<vmem>>, %arg5: memref<2000x128xf32, #tpu.memory_space<vmem>>, %arg6: memref<2x2000x64xf32, #tpu.memory_space<vmem>>, %arg7: memref<2000x128xf32, #tpu.memory_space<vmem>>) attributes {dimension_semantics = [#tpu.dimension_semantics<arbitrary>], iteration_bounds = array<i64: 5>, scalar_prefetch = 0 : i64, scratch_operands = 0 : i64, tpu.core_type = #tpu.core_type<tc>, window_params = [{transform_indices = @transform_0, window_bounds = array<i64: 2000, 128>}, {pipeline_mode = #tpu.pipeline_mode<synchronous>, transform_indices = @transform_1, window_bounds = array<i64: 128, 512>}, {pipeline_mode = #tpu.pipeline_mode<synchronous>, transform_indices = @transform_2, window_bounds = array<i64: 1, 512>}, {transform_indices = @transform_3, window_bounds = array<i64: 2000, 128>}, {transform_indices = @transform_4, window_bounds = array<i64: 2000, 128>}, {transform_indices = @transform_5, window_bounds = array<i64: 2, 2000, 64>}, {transform_indices = @transform_6, window_bounds = array<i64: 2000, 128>}]} {
    %get3A = arith.constant 0 : index
    %get3A_0 = arith.constant 0 : index
    %get3A_1 = vector.load %arg1[%get3A, %get3A_0] : memref<2000x128xf32, #tpu.memory_space<vmem>>, vector<2000x128xf32>
    %get3A_2 = arith.constant 0 : index
    %get3A_3 = arith.constant 0 : index
    %get3A_4 = vector.load %arg2[%get3A_2, %get3A_3] : memref<128x512xf32, #tpu.memory_space<vmem>>, vector<128x512xf32>
    %dot_general3A = arith.constant dense<0.000000e+00> : vector<2000x512xf32>
    %dot_general3A_5 = tpu.matmul %get3A_1, %get3A_4, %dot_general3A {dimension_numbers = #tpu.dot_dimension_numbers<[1], [0], [0], [1], [0, 0, 1, 1], [], []>, transpose_lhs_hint = false} : vector<2000x128xf32>, vector<128x512xf32>, vector<2000x512xf32> -> vector<2000x512xf32>
    %get3A_6 = arith.constant 0 : index
    %get3A_7 = arith.constant 0 : index
    %get3A_8 = vector.load %arg3[%get3A_6, %get3A_7] : memref<1x512xf32, #tpu.memory_space<vmem>>, vector<1x512xf32>
    %add3A = vector.broadcast %get3A_8 : vector<1x512xf32> to vector<2000x512xf32>
    %add3A_9 = arith.addf %dot_general3A_5, %add3A : vector<2000x512xf32>
    %slice3A = vector.extract_strided_slice %add3A_9 {offsets = [0, 0], sizes = [2000, 128], strides = [1, 1]} : vector<2000x512xf32> to vector<2000x128xf32>
    %swap3A = arith.constant 0 : index
    %swap3A_10 = arith.constant 0 : index
    %swap3A_11 = vector.load %arg4[%swap3A, %swap3A_10] : memref<2000x128xf32, #tpu.memory_space<vmem>>, vector<2000x128xf32>
    tpu.vector_store %arg4[%swap3A, %swap3A_10], %slice3A {strides = array<i32>} : memref<2000x128xf32, #tpu.memory_space<vmem>>, vector<2000x128xf32>,
    %slice3A_12 = vector.extract_strided_slice %add3A_9 {offsets = [0, 128], sizes = [2000, 128], strides = [1, 1]} : vector<2000x512xf32> to vector<2000x128xf32>
    %swap3A_13 = arith.constant 0 : index
    %swap3A_14 = arith.constant 0 : index
    %swap3A_15 = vector.load %arg5[%swap3A_13, %swap3A_14] : memref<2000x128xf32, #tpu.memory_space<vmem>>, vector<2000x128xf32>
    tpu.vector_store %arg5[%swap3A_13, %swap3A_14], %slice3A_12 {strides = array<i32>} : memref<2000x128xf32, #tpu.memory_space<vmem>>, vector<2000x128xf32>,
    %slice3A_16 = vector.extract_strided_slice %add3A_9 {offsets = [0, 256], sizes = [2000, 64], strides = [1, 1]} : vector<2000x512xf32> to vector<2000x64xf32>
    %swap3A_17 = arith.constant 0 : index
    %swap3A_18 = arith.constant 0 : index
    %swap3A_19 = arith.constant 0 : index
    %swap3A_20 = vector.load %arg6[%swap3A_17, %swap3A_18, %swap3A_19] : memref<2x2000x64xf32, #tpu.memory_space<vmem>>, vector<1x2000x64xf32>
    %swap3A_21 = vector.shape_cast %swap3A_20 : vector<1x2000x64xf32> to vector<2000x64xf32>
    %swap3A_22 = vector.shape_cast %slice3A_16 : vector<2000x64xf32> to vector<1x2000x64xf32>
    tpu.vector_store %arg6[%swap3A_17, %swap3A_18, %swap3A_19], %swap3A_22 {strides = array<i32>} : memref<2x2000x64xf32, #tpu.memory_space<vmem>>, vector<1x2000x64xf32>,
    %slice3A_23 = vector.extract_strided_slice %add3A_9 {offsets = [0, 320], sizes = [2000, 64], strides = [1, 1]} : vector<2000x512xf32> to vector<2000x64xf32>
    %swap3A_24 = arith.constant 1 : index
    %swap3A_25 = arith.constant 0 : index
    %swap3A_26 = arith.constant 0 : index
    %swap3A_27 = vector.load %arg6[%swap3A_24, %swap3A_25, %swap3A_26] : memref<2x2000x64xf32, #tpu.memory_space<vmem>>, vector<1x2000x64xf32>
    %swap3A_28 = vector.shape_cast %swap3A_27 : vector<1x2000x64xf32> to vector<2000x64xf32>
    %swap3A_29 = vector.shape_cast %slice3A_23 : vector<2000x64xf32> to vector<1x2000x64xf32>
    tpu.vector_store %arg6[%swap3A_24, %swap3A_25, %swap3A_26], %swap3A_29 {strides = array<i32>} : memref<2x2000x64xf32, #tpu.memory_space<vmem>>, vector<1x2000x64xf32>,
    %slice3A_30 = vector.extract_strided_slice %add3A_9 {offsets = [0, 384], sizes = [2000, 128], strides = [1, 1]} : vector<2000x512xf32> to vector<2000x128xf32>
    %swap3A_31 = arith.constant 0 : index
    %swap3A_32 = arith.constant 0 : index
    %swap3A_33 = vector.load %arg7[%swap3A_31, %swap3A_32] : memref<2000x128xf32, #tpu.memory_space<vmem>>, vector<2000x128xf32>
    tpu.vector_store %arg7[%swap3A_31, %swap3A_32], %slice3A_30 {strides = array<i32>} : memref<2000x128xf32, #tpu.memory_space<vmem>>, vector<2000x128xf32>,
    return
  }
  func.func @transform_0(%arg0: i32) -> (i32, i32) {
    %c0_i32 = arith.constant 0 : i32
    %c0_i32_0 = arith.constant 0 : i32
    return %arg0, %c0_i32 : i32, i32
  }
  func.func @transform_1(%arg0: i32) -> (i32, i32) {
    %c0_i32 = arith.constant 0 : i32
    %c0_i32_0 = arith.constant 0 : i32
    %c0_i32_1 = arith.constant 0 : i32
    return %c0_i32, %c0_i32_0 : i32, i32
  }
  func.func @transform_2(%arg0: i32) -> (i32, i32) {
    %c0_i32 = arith.constant 0 : i32
    %c0_i32_0 = arith.constant 0 : i32
    %c0_i32_1 = arith.constant 0 : i32
    return %c0_i32, %c0_i32_0 : i32, i32
  }
  func.func @transform_3(%arg0: i32) -> (i32, i32) {
    %c0_i32 = arith.constant 0 : i32
    %c0_i32_0 = arith.constant 0 : i32
    return %arg0, %c0_i32 : i32, i32
  }
  func.func @transform_4(%arg0: i32) -> (i32, i32) {
    %c0_i32 = arith.constant 0 : i32
    %c0_i32_0 = arith.constant 0 : i32
    return %arg0, %c0_i32 : i32, i32
  }
  func.func @transform_5(%arg0: i32) -> (i32, i32, i32) {
    %c0_i32 = arith.constant 0 : i32
    %c0_i32_0 = arith.constant 0 : i32
    %c0_i32_1 = arith.constant 0 : i32
    return %c0_i32, %arg0, %c0_i32_0 : i32, i32, i32
  }
  func.func @transform_6(%arg0: i32) -> (i32, i32) {
    %c0_i32 = arith.constant 0 : i32
    %c0_i32_0 = arith.constant 0 : i32
    return %arg0, %c0_i32 : i32, i32
  }
}

module attributes {stable_mosaic.version = 14 : i64} {
  func.func @_post_body(%arg0: memref<2x10000x64xf32, #tpu.memory_space<vmem>>, %arg1: memref<32x10000xf32, #tpu.memory_space<vmem>>, %arg2: memref<10000x128xf32, #tpu.memory_space<vmem>>, %arg3: memref<1x128xf32, #tpu.memory_space<vmem>>, %arg4: memref<1x128xf32, #tpu.memory_space<vmem>>, %arg5: memref<1x128xf32, #tpu.memory_space<vmem>>, %arg6: memref<128x128xf32, #tpu.memory_space<vmem>>, %arg7: memref<1x128xf32, #tpu.memory_space<vmem>>, %arg8: memref<128x128xf32, #tpu.memory_space<vmem>>, %arg9: memref<1x128xf32, #tpu.memory_space<vmem>>, %arg10: memref<10000x128xf32, #tpu.memory_space<vmem>>) attributes {dimension_semantics = [], scalar_prefetch = 0 : i64, scratch_operands = 0 : i64, tpu.core_type = #tpu.core_type<tc>} {
    %get3A = arith.constant 0 : index
    %get3A_0 = arith.constant 0 : index
    %get3A_1 = arith.constant 0 : index
    %get3A_2 = vector.load %arg0[%get3A, %get3A_0, %get3A_1] : memref<2x10000x64xf32, #tpu.memory_space<vmem>>, vector<1x10000x64xf32>
    %get3A_3 = vector.shape_cast %get3A_2 : vector<1x10000x64xf32> to vector<10000x64xf32>
    %get3A_4 = arith.constant 1 : index
    %get3A_5 = arith.constant 0 : index
    %get3A_6 = arith.constant 0 : index
    %get3A_7 = vector.load %arg0[%get3A_4, %get3A_5, %get3A_6] : memref<2x10000x64xf32, #tpu.memory_space<vmem>>, vector<1x10000x64xf32>
    %get3A_8 = vector.shape_cast %get3A_7 : vector<1x10000x64xf32> to vector<10000x64xf32>
    %concatenate3A = tpu.concatenate %get3A_3, %get3A_8 in 1 : vector<10000x64xf32>, vector<10000x64xf32> -> vector<10000x128xf32>
    %get3A_9 = arith.constant 0 : index
    %get3A_10 = arith.constant 0 : index
    %get3A_11 = vector.load %arg1[%get3A_9, %get3A_10] : memref<32x10000xf32, #tpu.memory_space<vmem>>, vector<32x10000xf32>
    %reduce_sum3A = arith.constant dense<0.000000e+00> : vector<10000xf32>
    %reduce_sum3A_12 = vector.multi_reduction <add>, %get3A_11, %reduce_sum3A [0] : vector<32x10000xf32> to vector<10000xf32>
    %broadcast_in_dim3A = vector.shape_cast %reduce_sum3A_12 : vector<10000xf32> to vector<10000x1xf32>
    %add3A = arith.constant 1.000000e-16 : f32
    %add3A_13 = vector.broadcast %add3A : f32 to vector<10000x1xf32>
    %add3A_14 = arith.addf %broadcast_in_dim3A, %add3A_13 : vector<10000x1xf32>
    %div3A = vector.broadcast %add3A_14 : vector<10000x1xf32> to vector<10000x128xf32>
    %div3A_15 = arith.divf %concatenate3A, %div3A : vector<10000x128xf32>
    %get3A_16 = arith.constant 0 : index
    %get3A_17 = arith.constant 0 : index
    %get3A_18 = vector.load %arg2[%get3A_16, %get3A_17] : memref<10000x128xf32, #tpu.memory_space<vmem>>, vector<10000x128xf32>
    %add3A_19 = arith.addf %div3A_15, %get3A_18 : vector<10000x128xf32>
    %reduce_sum3A_20 = arith.constant dense<0.000000e+00> : vector<128xf32>
    %reduce_sum3A_21 = vector.multi_reduction <add>, %add3A_19, %reduce_sum3A_20 [0] : vector<10000x128xf32> to vector<128xf32>
    %div3A_22 = arith.constant 1.000000e+04 : f32
    %div3A_23 = vector.broadcast %div3A_22 : f32 to vector<128xf32>
    %div3A_24 = arith.divf %reduce_sum3A_21, %div3A_23 : vector<128xf32>
    %broadcast_in_dim3A_25 = vector.shape_cast %div3A_24 : vector<128xf32> to vector<1x128xf32>
    %get3A_26 = arith.constant 0 : index
    %get3A_27 = arith.constant 0 : index
    %get3A_28 = vector.load %arg5[%get3A_26, %get3A_27] : memref<1x128xf32, #tpu.memory_space<vmem>>, vector<1x128xf32>
    %mul3A = arith.mulf %broadcast_in_dim3A_25, %get3A_28 : vector<1x128xf32>
    %sub3A = vector.broadcast %mul3A : vector<1x128xf32> to vector<10000x128xf32>
    %sub3A_29 = arith.subf %add3A_19, %sub3A : vector<10000x128xf32>
    %mul3A_30 = arith.mulf %sub3A_29, %sub3A_29 : vector<10000x128xf32>
    %reduce_sum3A_31 = arith.constant dense<0.000000e+00> : vector<128xf32>
    %reduce_sum3A_32 = vector.multi_reduction <add>, %mul3A_30, %reduce_sum3A_31 [0] : vector<10000x128xf32> to vector<128xf32>
    %div3A_33 = arith.constant 1.000000e+04 : f32
    %div3A_34 = vector.broadcast %div3A_33 : f32 to vector<128xf32>
    %div3A_35 = arith.divf %reduce_sum3A_32, %div3A_34 : vector<128xf32>
    %get3A_36 = arith.constant 0 : index
    %get3A_37 = arith.constant 0 : index
    %get3A_38 = vector.load %arg3[%get3A_36, %get3A_37] : memref<1x128xf32, #tpu.memory_space<vmem>>, vector<1x128xf32>
    %mul3A_39 = vector.broadcast %get3A_38 : vector<1x128xf32> to vector<10000x128xf32>
    %mul3A_40 = arith.mulf %mul3A_39, %sub3A_29 : vector<10000x128xf32>
    %add3A_41 = arith.constant 9.99999974E-6 : f32
    %add3A_42 = vector.broadcast %add3A_41 : f32 to vector<128xf32>
    %add3A_43 = arith.addf %div3A_35, %add3A_42 : vector<128xf32>
    %sqrt3A = math.sqrt %add3A_43 : vector<128xf32>
    %broadcast_in_dim3A_44 = vector.shape_cast %sqrt3A : vector<128xf32> to vector<1x128xf32>
    %div3A_45 = vector.broadcast %broadcast_in_dim3A_44 : vector<1x128xf32> to vector<10000x128xf32>
    %div3A_46 = arith.divf %mul3A_40, %div3A_45 : vector<10000x128xf32>
    %get3A_47 = arith.constant 0 : index
    %get3A_48 = arith.constant 0 : index
    %get3A_49 = vector.load %arg4[%get3A_47, %get3A_48] : memref<1x128xf32, #tpu.memory_space<vmem>>, vector<1x128xf32>
    %add3A_50 = vector.broadcast %get3A_49 : vector<1x128xf32> to vector<10000x128xf32>
    %add3A_51 = arith.addf %div3A_46, %add3A_50 : vector<10000x128xf32>
    %max3A = arith.constant 0.000000e+00 : f32
    %max3A_52 = vector.broadcast %max3A : f32 to vector<10000x128xf32>
    %max3A_53 = arith.maximumf %add3A_51, %max3A_52 : vector<10000x128xf32>
    %get3A_54 = arith.constant 0 : index
    %get3A_55 = arith.constant 0 : index
    %get3A_56 = vector.load %arg6[%get3A_54, %get3A_55] : memref<128x128xf32, #tpu.memory_space<vmem>>, vector<128x128xf32>
    %dot_general3A = arith.constant dense<0.000000e+00> : vector<10000x128xf32>
    %dot_general3A_57 = tpu.matmul %max3A_53, %get3A_56, %dot_general3A {dimension_numbers = #tpu.dot_dimension_numbers<[1], [0], [0], [1], [0, 0, 1, 1], [], []>, transpose_lhs_hint = false} : vector<10000x128xf32>, vector<128x128xf32>, vector<10000x128xf32> -> vector<10000x128xf32>
    %get3A_58 = arith.constant 0 : index
    %get3A_59 = arith.constant 0 : index
    %get3A_60 = vector.load %arg7[%get3A_58, %get3A_59] : memref<1x128xf32, #tpu.memory_space<vmem>>, vector<1x128xf32>
    %add3A_61 = vector.broadcast %get3A_60 : vector<1x128xf32> to vector<10000x128xf32>
    %add3A_62 = arith.addf %dot_general3A_57, %add3A_61 : vector<10000x128xf32>
    %max3A_63 = arith.constant 0.000000e+00 : f32
    %max3A_64 = vector.broadcast %max3A_63 : f32 to vector<10000x128xf32>
    %max3A_65 = arith.maximumf %add3A_62, %max3A_64 : vector<10000x128xf32>
    %get3A_66 = arith.constant 0 : index
    %get3A_67 = arith.constant 0 : index
    %get3A_68 = vector.load %arg8[%get3A_66, %get3A_67] : memref<128x128xf32, #tpu.memory_space<vmem>>, vector<128x128xf32>
    %dot_general3A_69 = arith.constant dense<0.000000e+00> : vector<10000x128xf32>
    %dot_general3A_70 = tpu.matmul %max3A_65, %get3A_68, %dot_general3A_69 {dimension_numbers = #tpu.dot_dimension_numbers<[1], [0], [0], [1], [0, 0, 1, 1], [], []>, transpose_lhs_hint = false} : vector<10000x128xf32>, vector<128x128xf32>, vector<10000x128xf32> -> vector<10000x128xf32>
    %get3A_71 = arith.constant 0 : index
    %get3A_72 = arith.constant 0 : index
    %get3A_73 = vector.load %arg9[%get3A_71, %get3A_72] : memref<1x128xf32, #tpu.memory_space<vmem>>, vector<1x128xf32>
    %add3A_74 = vector.broadcast %get3A_73 : vector<1x128xf32> to vector<10000x128xf32>
    %add3A_75 = arith.addf %dot_general3A_70, %add3A_74 : vector<10000x128xf32>
    %swap3A = arith.constant 0 : index
    %swap3A_76 = arith.constant 0 : index
    %swap3A_77 = vector.load %arg10[%swap3A, %swap3A_76] : memref<10000x128xf32, #tpu.memory_space<vmem>>, vector<10000x128xf32>
    tpu.vector_store %arg10[%swap3A, %swap3A_76], %add3A_75 {strides = array<i32>} : memref<10000x128xf32, #tpu.memory_space<vmem>>, vector<10000x128xf32>,
    return
  }
}

</mosaic_0001>

<sc_bundles>
// kernel: kernel.6.cloned.1.call-start
scs
__scs_entry_jumppad:
0x0: {  	(pc) =	sbr.rel $0x88, $3  }
0x1: {  	(tag) =	ssettag $0x0;
	lr =	simm.s32 $0x1  }
0x2: {  	[smem:$0x3F90] =	sst lr;
	_ =	strace $0xD0000000  }
0x3: {  	_ = 	snop  }
0x4: {  	_ = 	snop  }
0x5: {  	_ = 	snop  }
0x6: {  	_ = 	snop  }
0x7: {  	_ = 	snop  }
__scs_overlays_trampoline_lowered:
0x8: {  	[smem:$0x3F9F] =	sst s0  }
0x9: {  	[smem:$0x3FA0] =	sst s1  }
0xa: {  	[smem:$0x3FA1] =	sst s2  }
0xb: {  	[smem:$0x3FA2] =	sst s3  }
0xc: {  	[smem:$0x3FA3] =	sst s4  }
0xd: {  	[smem:$0x3FA4] =	sst s5  }
0xe: {  	[smem:$0x3FA5] =	sst s6  }
0xf: {  	[smem:$0x3FA6] =	sst s7  }
0x10: {  	[smem:$0x3FA7] =	sst s8  }
0x11: {  	[smem:$0x3FA8] =	sst s9;
	s0 =	simm.s32 @!p0 $0x0  }
0x12: {  	s1 =	sld [smem:$0x3F8E];
	s0 =	simm.s32 @p0 $0x1  }
0x13: {  	[smem:$0x3FA9] =	sst s0;
	s0 =	simm.s32 @!p1 $0x0  }
0x14: {  	s2 =	sld [smem:$0x3F8D];
	s0 =	simm.s32 @p1 $0x1  }
0x15: {  	[smem:$0x3FAA] =	sst s0;
	s0 =	simm.s32 @!p2 $0x0  }
0x16: {  	s3 =	sld [smem:$0x3FDB];
	s0 =	simm.s32 @p2 $0x1  }
0x17: {  	s4 =	simm.s32 $0x1BF5;
	[smem:$0x3FAC] =	sst s0  }
0x18: {  	s0 =	sld [smem:$0x3F8F];
	_ =	swait.ge [sflag:s4], $0x0  }
0x19: {  	s7 =	sld [smem:$0x3F90]  }
0x1a: {  	s8 =	sadd.s32 $0xFFFFE003, lr  }
0x1b: {  	s9 =	sadd.s32 $0xFFFFFEF7, lr;
	s5 =	simm.s32 $0xFFFFFFFF;
	p2 =	slt.u32 s8, $0xFFFFF086  }
0x1c: {  	p1 =	slt.u32 s9, $0xF7A;
	s5 =	simm.s32 @!p2 $0x0  }
0x1d: {  	s5 =	simm.s32 @p1 $0x1;
	p0 =	seq.s32 s7, s2  }
0x1e: {  	s7 =	smul.u32 @!p0 $0xF7A, s2;
	p2 =	seq.s32 @!p0 s5, $0x0  }
0x1f: {  	s9 =	smul.u32 $0xF7A, s1;
	s8 =	simm.s32 @!p0 $0x1BF5;
	p2 =	por !p2, p0  }
0x20: {  	[sflag:s8] =	ssyncset.s32 @!p0 $0xFFFFF086;
	s6 =	sadd.s32 @!p0 s3, s7;
	s7 =	simm.s32 @!p0 $0x108  }
0x21: {  	s3 =	sadd.s32 s3, s9;
	s6 =	sadd.s32 @!p0 $0x88, s6;
	s7 =	simm.s32 @p2 $0x1082  }
0x22: {  	[simem:s7], [sflag:s8] =	dma.local @!p0 [hbm:s6], $0xF7A  }
0x23: {  	s9 =	sor.u32 $0xD0000000, s2;
	s6 =	simm.s32 $0x108;
	_ =	swait.ge @!p0 [sflag:s8], $0x0  }
0x24: {  	s3 =	sadd.s32 $0x88, s3;
	s6 =	simm.s32 @!p1 $0x1082;
	[sflag:s4] =	ssyncset.s32 $0xFFFFF086  }
0x25: {  	[simem:s6], [sflag:s4] =	dma.local [hbm:s3], $0xF7A  }
0x26: {  	[smem:$0x3F90] =	sst s1;
	(tag) =	ssettag s2;
	_ =	strace s9  }
0x27: {  	s1 =	sld [smem:$0x3FA0]  }
0x28: {  	s2 =	sld [smem:$0x3FA1]  }
0x29: {  	s4 =	sld [smem:$0x3FA3]  }
0x2a: {  	p0 =	seq.s32 s5, $0x0;
	s5 =	sld [smem:$0x3FA4]  }
0x2b: {  	s6 =	sld [smem:$0x3FA5]  }
0x2c: {  	s7 =	sld [smem:$0x3FA6]  }
0x2d: {  	s3 =	simm.s32 $0x108;
	s8 =	sld [smem:$0x3FA7]  }
0x2e: {  	s3 =	simm.s32 @!p0 $0x1082;
	s9 =	sld [smem:$0x3FA8]  }
0x2f: {  	lr =	sadd.s32 s0, s3;
	s0 =	sld [smem:$0x3F9F]  }
0x30: {  	s3 =	sld [smem:$0x3FA2]  }
0x31: {  	[smem:$0x3FAB] =	sst s10  }
0x32: {  	s10 =	sld [smem:$0x3FA9];
	_ =	sdelay $0x3  }
0x33: {  	p0 =	seq.s32 s10, $0x1;
	s10 =	sld [smem:$0x3FAB];
	_ =	sdelay $0x3  }
0x34: {  	[smem:$0x3FAB] =	sst s10  }
0x35: {  	s10 =	sld [smem:$0x3FAA];
	_ =	sdelay $0x3  }
0x36: {  	p1 =	seq.s32 s10, $0x1;
	s10 =	sld [smem:$0x3FAB];
	_ =	sdelay $0x3  }
0x37: {  	[smem:$0x3FAB] =	sst s10  }
0x38: {  	s10 =	sld [smem:$0x3FAC]  }
0x39: {  	_ = 	snop;
	(pc) =	sbr.ind lr, $3  }
0x3a: {  	_ = 	snop  }
0x3b: {  	_ = 	snop  }
0x3c: {  	p2 =	seq.s32 s10, $0x1;
	s10 =	sld [smem:$0x3FAB]  }
0x3d: {  	_ =	shalt  }
0x3e: {  	_ =	shalt  }
0x3f: {  	_ =	shalt  }
0x40: {  	_ =	shalt  }
0x41: {  	_ =	shalt  }
0x42: {  	_ =	shalt  }
0x43: {  	_ =	shalt  }
0x44: {  	_ =	shalt  }
0x45: {  	_ =	shalt  }
0x46: {  	_ =	shalt  }
0x47: {  	_ =	shalt  }
0x48: {  	_ =	shalt  }
0x49: {  	_ =	shalt  }
0x4a: {  	_ =	shalt  }
0x4b: {  	_ =	shalt  }
0x4c: {  	_ =	shalt  }
0x4d: {  	_ =	shalt  }
0x4e: {  	_ =	shalt  }
0x4f: {  	_ =	shalt  }
0x50: {  	_ =	shalt  }
0x51: {  	_ =	shalt  }
0x52: {  	_ =	shalt  }
0x53: {  	_ =	shalt  }
0x54: {  	_ =	shalt  }
0x55: {  	_ =	shalt  }
0x56: {  	_ =	shalt  }
0x57: {  	_ =	shalt  }
0x58: {  	_ =	shalt  }
0x59: {  	_ =	shalt  }
0x5a: {  	_ =	shalt  }
0x5b: {  	_ =	shalt  }
0x5c: {  	_ =	shalt  }
0x5d: {  	_ =	shalt  }
0x5e: {  	_ =	shalt  }
0x5f: {  	_ =	shalt  }
0x60: {  	_ =	shalt  }
0x61: {  	_ =	shalt  }
0x62: {  	_ =	shalt  }
0x63: {  	_ =	shalt  }
0x64: {  	_ =	shalt  }
0x65: {  	_ =	shalt  }
0x66: {  	_ =	shalt  }
0x67: {  	_ =	shalt  }
0x68: {  	_ =	shalt  }
0x69: {  	_ =	shalt  }
0x6a: {  	_ =	shalt  }
0x6b: {  	_ =	shalt  }
0x6c: {  	_ =	shalt  }
0x6d: {  	_ =	shalt  }
0x6e: {  	_ =	shalt  }
0x6f: {  	_ =	shalt  }
0x70: {  	_ =	shalt  }
0x71: {  	_ =	shalt  }
0x72: {  	_ =	shalt  }
0x73: {  	_ =	shalt  }
0x74: {  	_ =	shalt  }
0x75: {  	_ =	shalt  }
0x76: {  	_ =	shalt  }
0x77: {  	_ =	shalt  }
0x78: {  	_ =	shalt  }
0x79: {  	_ =	shalt  }
0x7a: {  	_ =	shalt  }
0x7b: {  	_ =	shalt  }
0x7c: {  	_ =	shalt  }
0x7d: {  	_ =	shalt  }
0x7e: {  	_ =	shalt  }
0x7f: {  	_ =	shalt  }
0x80: {  	_ =	shalt  }
0x81: {  	_ =	shalt  }
0x82: {  	_ =	shalt  }
0x83: {  	_ =	shalt  }
0x84: {  	_ =	shalt  }
0x85: {  	_ =	shalt  }
0x86: {  	_ =	shalt  }
0x87: {  	_ =	shalt  }
.Lfunc_end0:
.L_simem_size_0:
called_computation_lowered:
.L_overlay_start_0:
0x88: {  	s2 =	sld [smem:$0x3FD9]  }
0x89: {  	s3 =	sld [smem:$0x3FFE];
	_ =	sdelay $0x1  }
0x8a: {  	s1 =	srdreg.scid  }
0x8b: {  	s0 =	sand.u32 $0x1, s1  }
0x8c: {  	s16 =	sshll.u32 s0, $0xA;
	s2 =	sadd.s32 s3, s2  }
0x8d: {  	s2 =	sadd.s32 s2, s16  }
0x8e: {  	[smem:$0x3FB7] =	sst s2  }
0x8f: {  	_ = 	snop  }
0x90: {  	(tm) =	ssettm $0x1  }
0x91: {  	s17 =	sld [smem:$0x3FFB];
	_ =	sdelay $0x3  }
0x92: {  	_ =	strace s17  }
0x93: {  	s2 =	sld [smem:$0x3FFC];
	_ =	sdelay $0x3  }
0x94: {  	_ =	strace s2  }
0x95: {  	s2 =	sld [smem:$0x3FFD];
	_ =	sdelay $0x3  }
0x96: {  	_ =	strace s2  }
0x97: {  	_ =	strace $0x8FFFFFFF  }
0x98: {  	s18 =	sld [smem:$0x3FDB];
	_ =	sdelay $0x1  }
0x99: {  	s19 =	simm.s32 $_scs_section_size  }
0x9a: {  	s4 =	simm.s32 $_size__tile_overlayer_lowered;
	s5 =	simm.s32 $_tile_overlayer_lowered  }
0x9b: {  	s22 =	simm.s32 $0x1BFF;
	s21 =	sshll.u32 s5, $0x1;
	s2 =	sadd.s32 s19, s18  }
0x9c: {  	s6 =	simm.s32 $0x0;
	s20 =	sshll.u32 s4, $0x1;
	s4 =	sadd.s32 s21, s2  }
0x9d: {  	[timem:s6], [sflag:s22] =	dma.local [hbm:s4], s20  }
0x9e: {  	_ =	swait.ge [sflag:s22], s20  }
0x9f: {  	s3 =	ssub.s32 $0x0, s20;
	[sflag:s22] =	ssyncset.done $0x0  }
0xa0: {  	[sflag:s22] =	ssyncadd.s32 s3;
	_ =	sdelay $0x1  }
0xa1: {  	s23 =	simm.s32 $0x1B8B  }
0xa2: {  	_ =	swait.ge [sflag:s23], $0x1  }
0xa3: {  	[sflag:s23] =	ssyncset.done $0x0  }
0xa4: {  	s25 =	simm.s32 $0x1B8E;
	s24 =	sld [smem:$0x3FFE];
	[sflag:s23] =	ssyncadd.s32 $0xFFFFFFFF  }
0xa5: {  	s26 =	simm.s32 $execute0_lowered;
	[smem:$0x3FD2] =	sst s25  }
0xa6: {  	s4 =	sshll.u32 s26, $0x1;
	_ =	strace $0x80000046;
	[dreg:$0x1] =	wrdreg $0xFFFFFFFF  }
0xa7: {  	s28 =	simm.s32 $_size_execute0_lowered;
	s2 =	sadd.s32 s2, s4;
	[dreg:$0x0] =	wrdreg $0x0  }
0xa8: {  	s4 =	sshll.u32 s28, $0x1;
	[dreg:$0x2] =	wrdreg s2  }
0xa9: {  	[dreg:$0x3] =	wrdreg s4  }
0xaa: {  	[dreg:$0x4] =	wrdreg $0xC0  }
0xab: {  	_ =	task [dreg:s6], $0x5FFFF  }
0xac: {  	[dreg:$0x1] =	wrdreg $0xFFFFFFFF  }
0xad: {  	[dreg:$0x0] =	wrdreg $0x60  }
0xae: {  	[dreg:$0x2] =	wrdreg s24  }
0xaf: {  	[dreg:$0x3] =	wrdreg $0x9  }
0xb0: {  	_ =	task.clear_ibuf [dreg:s6], $0x4FFFF;
	_ =	strace $0x90000046  }
0xb1: {  	s29 =	simm.s32 $0x9;
	_ =	strace $0x80000048  }
0xb2: {  	_ =	swait.ge [sflag:s29], $0x1  }
0xb3: {  	[sflag:s29] =	ssyncadd.s32 $0xFFFFFFFF  }
0xb4: {  	_ =	strace $0x90000048  }
0xb5: {  	_ =	sfence  }
0xb6: {  	s30 =	sld [smem:$0x0];
	_ =	sdelay $0x2  }
0xb7: {  	s31 =	sshll.u32 s1, $0xD;
	s1 =	sshrl.u32 s1, $0x2  }
0xb8: {  	s3 =	sand.u32 $0x4000, s31;
	s1 =	sadd.s32 s1, s30  }
0xb9: {  	s0 =	sor.u32 s3, s0;
	s1 =	sshll.u32 s1, $0x11  }
0xba: {  	s0 =	sor.u32 s1, s0  }
0xbb: {  	s0 =	sadd.s32 $0x8F2B, s0  }
0xbc: {  	[sflag:s0] =	ssyncadd.remote.s32 $0x1  }
0xbd: {  	_ =	sfence.sel $0xFFFF  }
0xbe: {  	[dreg:$0x0] =	wrdreg $0xFFFFFFFF;
	(pc) =	sbr.abs _section_cstart, $3  }
0xbf: {  	[dreg:$0x1] =	wrdreg $0xFFFFFFFF  }
0xc0: {  	_ =	task.clear_ibuf [dreg:s6], $0x2FFFF;
	_ =	strace $0x9FFFFFFF  }
0xc1: {  	(tm) =	ssettm $0x7FFFFFFF  }
tec
execute0_lowered:
.L_overlay_start_1:
0x0: {  	(tag) =	ssettag $0x1  }
0x1: {  	s1 =	srdreg.scid  }
0x2: {  	s0 =	stileid.u32;
	s7 =	rddreg [dreg:$0x0];
	s2 =	simm.s32 $0x0  }
0x3: {  	s12 =	simm.s32 $0x2;
	s13 =	simm.s32 $0x2710;
	s14 =	simm.s32 $0x9E70  }
0x4: {  	s15 =	simm.s32 $0x50;
	s16 =	simm.s32 $0x4E20;
	s17 =	simm.s32 $0x7620  }
0x5: {  	s18 =	simm.s32 $0x1;
	s19 =	simm.s32 $0x9E20;
	s20 =	simm.s32 $0x0  }
0x6: {  	s6 =	sand.u32 $0x1, s1;
	s3 =	sshll.u32 s0, $0x1;
	s1 =	rddreg [dreg:$0x1]  }
0x7: {  	s24 =	simm.s32 $0x0;
	[smem:$0x7FF] =	sst s2;
	s3 =	sor.u32 s6, s3  }
0x8: {  	v0 =	vlaneseq.u32;
	s4 =	sadd.s32 $0x65200, s7;
	s9 =	ssub.s32 $0x2, s6;
	s3 =	smul.u32 $0x2710, s3  }
0x9: {  	s5 =	sadd.s32 $0x8C400, s7;
	v1 =	vmul.u32 $0x80, v0;
	_ =	strace $0x80000047;
	s31 =	sshrl.u32 s9, $0x1  }
0xa: {  	v3 =	vor.u32 $0x10, v0;
	v5 =	vor.u32 $0x20, v0;
	s6 =	sadd.s32 $0xB3600, s7;
	s11 =	ssub.s32 s9, s31;
	s8 =	sshrl.u32 s3, $0x3  }
0xb: {  	v7 =	vor.u32 $0x30, v0;
	v9 =	vor.u32 $0x40, v0;
	v2 =	vor.u32 $0x800, v1;
	s11 =	smax.u32 s11, $0x1;
	s10 =	sadd.s32 s8, s7;
	s7 =	sadd.s32 $0xBDA00, s7  }
0xc: {  	v4 =	vor.u32 $0x1000, v1;
	v6 =	vor.u32 $0x1800, v1;
	v8 =	vor.u32 $0x2000, v1;
	s8 =	sadd.s32 $0xD200, s10;
	s9 =	sadd.s32 $0x3400, s10;
	s10 =	sadd.s32 $0xB3C00, s10  }
.LBB2_1:
0xd: {  	[tilespmem:s2], [sflag:$0x2] =	stream.linear.gather [hbm4b:s8+s2], $0x2710, $0x38;
	[tilespmem:$0xC580] =	vst v63  }
0xe: {  	_ =	swait.ge [sflag:s12], $0x2710  }
0xf: {  	[sflag:s12] =	ssyncset.done $0x0  }
0x10: {  	[sflag:s12] =	ssyncadd.s32 $0xFFFFD8F0  }
0x11: {  	[tilespmem:s13], [sflag:$0x2] =	stream.linear.gather [hbm4b:s9+s2], $0x2710, $0x38;
	[tilespmem:$0xC580] =	vst v63  }
0x12: {  	_ =	swait.ge [sflag:s12], $0x2710  }
0x13: {  	[sflag:s12] =	ssyncset.done $0x0  }
0x14: {  	[sflag:s12] =	ssyncadd.s32 $0xFFFFD8F0  }
0x15: {  	[tilespmem:s14], [sflag:$0x2] =	stream.linear.gather [hbm4b:s6+s2], $0x2710, $0x38;
	[tilespmem:$0xC580] =	vst v63  }
0x16: {  	_ =	swait.ge [sflag:s12], $0x2710  }
0x17: {  	[sflag:s12] =	ssyncset.done $0x0  }
0x18: {  	s21 =	simm.s32 $0x0;
	[sflag:s12] =	ssyncadd.s32 $0xFFFFD8F0  }
.LBB2_2:
0x19: {  	s22 =	smul.u32 $0x50, s21;
	_ =	sdelay $0x1  }
0x1a: {  	s23 =	sadd.s32 $0x2710, s22  }
0x1b: {  	v10 =	vmov s24;
	[tilespmem:s16], [sflag:$0x1] =	stream.indirect.gather [hbm4b:s4+s15], $0x80, s23, s15, $0xb8;
	[tilespmem:$0xC580] =	vst v63  }
0x1c: {  	v10 =	vand.u32 $0x7F, v10  }
0x1d: {  	v10 =	vbroadcast v10, $0x0;
	[tilespmem:s17], [sflag:$0x1] =	stream.indirect.gather [hbm4b:s5+s15], $0x80, s22, s15, $0xb8;
	[tilespmem:$0xC580] =	vst v63  }
0x1e: {  	_ =	swait.ge [sflag:s18], $0x2800  }
0x1f: {  	s30 =	simm.s32 $0x1;
	v10 =	vor.u32 v1, v10;
	[sflag:s18] =	ssyncset.done $0x0  }
0x20: {  	v11 =	vmov s30;
	[sflag:s18] =	ssyncadd.s32 $0xFFFFD800  }
0x21: {  	v11 =	vand.u32 $0x7F, v11;
	_ =	swait.ge [sflag:s18], $0x2800  }
0x22: {  	v11 =	vbroadcast v11, $0x0;
	[sflag:s18] =	ssyncset.done $0x0  }
0x23: {  	[sflag:s18] =	ssyncadd.s32 $0xFFFFD800  }
0x24: {  	v12 =	vor.u32 v1, v11;
	v14 =	vld.idx.msk [tilespmem:v10+s16+$0x0], $0xffff  }
0x25: {  	s31 =	simm.s32 $0x2;
	v15 =	vld.idx.msk [tilespmem:v10+s17+$0x0], $0xffff  }
0x26: {  	v10 =	vmov s31  }
0x27: {  	v10 =	vand.u32 $0x7F, v10  }
0x28: {  	v13 =	vbroadcast v10, $0x0  }
0x29: {  	v10 =	vld.idx.msk [tilespmem:v12+s16+$0x0], $0xffff  }
0x2a: {  	s23 =	simm.s32 $0x3;
	v11 =	vimm.f32 $0.0e+00;
	v12 =	vld.idx.msk [tilespmem:v12+s17+$0x0], $0xffff;
	v13 =	vor.u32 v1, v13;
	v14 =	vmul.f32 v15, v14  }
.LBB2_3:
0x2b: {  	p0 =	sne.s32 s23, $0x7F  }
.Ltmp0:
0x2c: {  	v15 =	vmov s23;
	v11 =	vadd.f32 v14, v11;
	(pc) =	sbr.rel @p0 .LBB2_3-.Ltmp0, $4  }
0x2d: {  	s23 =	sadd.s32 $0x1, s23;
	v16 =	vand.u32 $0x7F, v15  }
0x2e: {  	v15 =	vbroadcast v16, $0x0  }
0x2f: {  	v14 =	vmov v10;
	v10 =	vld.idx.msk [tilespmem:v13+s16+$0x0], $0xffff  }
0x30: {  	v14 =	vmul.f32 v12, v14;
	v12 =	vld.idx.msk [tilespmem:v13+s17+$0x0], $0xffff;
	v13 =	vor.u32 v1, v15  }
0x31: {  	_ =	sdelay $0x3  }
0x32: {  	v15 =	vld.idx.msk [tilespmem:v13+s16+$0x0], $0xffff  }
0x33: {  	v13 =	vld.idx.msk [tilespmem:v13+s17+$0x0], $0xffff;
	_ =	sdelay $0x2  }
0x34: {  	v11 =	vadd.f32 v14, v11;
	v10 =	vmul.f32 v12, v10;
	_ =	sdelay $0x1  }
0x35: {  	v10 =	vadd.f32 v10, v11;
	v11 =	vmul.f32 v13, v15;
	_ =	sdelay $0x1  }
0x36: {  	v10 =	vadd.f32 v11, v10;
	_ =	sdelay $0x1  }
0x37: {  	v10 =	vmul.f32 $1.442695020e+00, v10;
	_ =	sdelay $0x1  }
0x38: {  	(erf) = vpow2.f32 v10  }
0x39: {  	v10 =	vmov s21  }
0x3a: {  	v10 =	vmul.u32 $0x50, v10;
	_ =	sdelay $0x1  }
0x3b: {  	v10 =	vbroadcast v10, $0x0;
	_ =	sdelay $0x1  }
0x3c: {  	v11 =	vor.u32 v0, v10;
	_ =	sdelay $0x2  }
0x3d: {  	v12 =	vpop (erf)  }
0x3e: {  	s23 =	simm.s32 $0x0;
	[tilespmem:$0x9E20] =	vst v12  }
0x3f: {  	v13 =	vmov s23;
	v11 =	vld.idx.msk [tilespmem:v11+s13+$0x0], $0xffff  }
0x40: {  	v13 =	vand.u32 $0x7F, v13  }
0x41: {  	v13 =	vbroadcast v13, $0x0;
	_ =	sdelay $0x1  }
0x42: {  	s30 =	simm.s32 $0x1;
	v13 =	vor.u32 v2, v13  }
0x43: {  	v14 =	vmov s30  }
0x44: {  	v14 =	vand.u32 $0x7F, v14  }
0x45: {  	v14 =	vbroadcast v14, $0x0  }
0x46: {  	[tilespmem:v11+s14+$0x0] =	vst.idx.add.f32.msk $0xffff, v12  }
0x47: {  	v16 =	vor.u32 v2, v14;
	v15 =	vld.idx.msk [tilespmem:v13+s16+$0x0], $0xffff  }
0x48: {  	s31 =	simm.s32 $0x2;
	v17 =	vld.idx.msk [tilespmem:v13+s17+$0x0], $0xffff  }
0x49: {  	v11 =	vmov s31  }
0x4a: {  	v11 =	vand.u32 $0x7F, v11  }
0x4b: {  	v13 =	vbroadcast v11, $0x0  }
0x4c: {  	v11 =	vld.idx.msk [tilespmem:v16+s16+$0x0], $0xffff  }
0x4d: {  	s23 =	simm.s32 $0x3;
	v12 =	vimm.f32 $0.0e+00;
	v14 =	vor.u32 v2, v13;
	v13 =	vld.idx.msk [tilespmem:v16+s17+$0x0], $0xffff;
	v15 =	vmul.f32 v17, v15  }
.LBB2_5:
0x4e: {  	p0 =	sne.s32 s23, $0x7F  }
.Ltmp1:
0x4f: {  	v16 =	vmov s23;
	v12 =	vadd.f32 v15, v12;
	(pc) =	sbr.rel @p0 .LBB2_5-.Ltmp1, $4  }
0x50: {  	s23 =	sadd.s32 $0x1, s23;
	v17 =	vand.u32 $0x7F, v16  }
0x51: {  	v16 =	vbroadcast v17, $0x0  }
0x52: {  	v15 =	vmov v11;
	v11 =	vld.idx.msk [tilespmem:v14+s16+$0x0], $0xffff  }
0x53: {  	v15 =	vmul.f32 v13, v15;
	v13 =	vld.idx.msk [tilespmem:v14+s17+$0x0], $0xffff;
	v14 =	vor.u32 v2, v16  }
0x54: {  	_ =	sdelay $0x3  }
0x55: {  	v16 =	vld.idx.msk [tilespmem:v14+s16+$0x0], $0xffff  }
0x56: {  	v14 =	vld.idx.msk [tilespmem:v14+s17+$0x0], $0xffff;
	_ =	sdelay $0x2  }
0x57: {  	v12 =	vadd.f32 v15, v12;
	v11 =	vmul.f32 v13, v11;
	_ =	sdelay $0x1  }
0x58: {  	v11 =	vadd.f32 v11, v12;
	v12 =	vmul.f32 v14, v16;
	_ =	sdelay $0x1  }
0x59: {  	v11 =	vadd.f32 v12, v11;
	_ =	sdelay $0x1  }
0x5a: {  	v11 =	vmul.f32 $1.442695020e+00, v11;
	_ =	sdelay $0x1  }
0x5b: {  	(erf) = vpow2.f32 v11;
	_ =	sdelay $0x5  }
0x5c: {  	v11 =	vadd.s32 v3, v10;
	_ =	sdelay $0x2  }
0x5d: {  	v12 =	vpop (erf)  }
0x5e: {  	s23 =	simm.s32 $0x0;
	[tilespmem:$0x9E30] =	vst v12  }
0x5f: {  	v13 =	vmov s23;
	v11 =	vld.idx.msk [tilespmem:v11+s13+$0x0], $0xffff  }
0x60: {  	v13 =	vand.u32 $0x7F, v13  }
0x61: {  	v13 =	vbroadcast v13, $0x0;
	_ =	sdelay $0x1  }
0x62: {  	s30 =	simm.s32 $0x1;
	v13 =	vor.u32 v4, v13  }
0x63: {  	v14 =	vmov s30  }
0x64: {  	v14 =	vand.u32 $0x7F, v14  }
0x65: {  	v14 =	vbroadcast v14, $0x0  }
0x66: {  	[tilespmem:v11+s14+$0x0] =	vst.idx.add.f32.msk $0xffff, v12  }
0x67: {  	v16 =	vor.u32 v4, v14;
	v15 =	vld.idx.msk [tilespmem:v13+s16+$0x0], $0xffff  }
0x68: {  	s31 =	simm.s32 $0x2;
	v17 =	vld.idx.msk [tilespmem:v13+s17+$0x0], $0xffff  }
0x69: {  	v11 =	vmov s31  }
0x6a: {  	v11 =	vand.u32 $0x7F, v11  }
0x6b: {  	v13 =	vbroadcast v11, $0x0  }
0x6c: {  	v11 =	vld.idx.msk [tilespmem:v16+s16+$0x0], $0xffff  }
0x6d: {  	s23 =	simm.s32 $0x3;
	v12 =	vimm.f32 $0.0e+00;
	v14 =	vor.u32 v4, v13;
	v13 =	vld.idx.msk [tilespmem:v16+s17+$0x0], $0xffff;
	v15 =	vmul.f32 v17, v15  }
.LBB2_7:
0x6e: {  	p0 =	sne.s32 s23, $0x7F  }
.Ltmp2:
0x6f: {  	v16 =	vmov s23;
	v12 =	vadd.f32 v15, v12;
	(pc) =	sbr.rel @p0 .LBB2_7-.Ltmp2, $4  }
0x70: {  	s23 =	sadd.s32 $0x1, s23;
	v17 =	vand.u32 $0x7F, v16  }
0x71: {  	v16 =	vbroadcast v17, $0x0  }
0x72: {  	v15 =	vmov v11;
	v11 =	vld.idx.msk [tilespmem:v14+s16+$0x0], $0xffff  }
0x73: {  	v15 =	vmul.f32 v13, v15;
	v13 =	vld.idx.msk [tilespmem:v14+s17+$0x0], $0xffff;
	v14 =	vor.u32 v4, v16  }
0x74: {  	_ =	sdelay $0x3  }
0x75: {  	v16 =	vld.idx.msk [tilespmem:v14+s16+$0x0], $0xffff  }
0x76: {  	v14 =	vld.idx.msk [tilespmem:v14+s17+$0x0], $0xffff;
	_ =	sdelay $0x2  }
0x77: {  	v12 =	vadd.f32 v15, v12;
	v11 =	vmul.f32 v13, v11;
	_ =	sdelay $0x1  }
0x78: {  	v11 =	vadd.f32 v11, v12;
	v12 =	vmul.f32 v14, v16;
	_ =	sdelay $0x1  }
0x79: {  	v11 =	vadd.f32 v12, v11;
	_ =	sdelay $0x1  }
0x7a: {  	v11 =	vmul.f32 $1.442695020e+00, v11;
	_ =	sdelay $0x1  }
0x7b: {  	(erf) = vpow2.f32 v11;
	_ =	sdelay $0x5  }
0x7c: {  	v11 =	vadd.s32 v5, v10;
	_ =	sdelay $0x2  }
0x7d: {  	v12 =	vpop (erf)  }
0x7e: {  	s23 =	simm.s32 $0x0;
	[tilespmem:$0x9E40] =	vst v12  }
0x7f: {  	v13 =	vmov s23;
	v11 =	vld.idx.msk [tilespmem:v11+s13+$0x0], $0xffff  }
0x80: {  	v13 =	vand.u32 $0x7F, v13  }
0x81: {  	v13 =	vbroadcast v13, $0x0;
	_ =	sdelay $0x1  }
0x82: {  	s30 =	simm.s32 $0x1;
	v13 =	vor.u32 v6, v13  }
0x83: {  	v14 =	vmov s30  }
0x84: {  	v14 =	vand.u32 $0x7F, v14  }
0x85: {  	v14 =	vbroadcast v14, $0x0  }
0x86: {  	[tilespmem:v11+s14+$0x0] =	vst.idx.add.f32.msk $0xffff, v12  }
0x87: {  	v16 =	vor.u32 v6, v14;
	v15 =	vld.idx.msk [tilespmem:v13+s16+$0x0], $0xffff  }
0x88: {  	s31 =	simm.s32 $0x2;
	v17 =	vld.idx.msk [tilespmem:v13+s17+$0x0], $0xffff  }
0x89: {  	v11 =	vmov s31  }
0x8a: {  	v11 =	vand.u32 $0x7F, v11  }
0x8b: {  	v13 =	vbroadcast v11, $0x0  }
0x8c: {  	v11 =	vld.idx.msk [tilespmem:v16+s16+$0x0], $0xffff  }
0x8d: {  	s23 =	simm.s32 $0x3;
	v12 =	vimm.f32 $0.0e+00;
	v14 =	vor.u32 v6, v13;
	v13 =	vld.idx.msk [tilespmem:v16+s17+$0x0], $0xffff;
	v15 =	vmul.f32 v17, v15  }
.LBB2_9:
0x8e: {  	p0 =	sne.s32 s23, $0x7F  }
.Ltmp3:
0x8f: {  	v16 =	vmov s23;
	v12 =	vadd.f32 v15, v12;
	(pc) =	sbr.rel @p0 .LBB2_9-.Ltmp3, $4  }
0x90: {  	s23 =	sadd.s32 $0x1, s23;
	v17 =	vand.u32 $0x7F, v16  }
0x91: {  	v16 =	vbroadcast v17, $0x0  }
0x92: {  	v15 =	vmov v11;
	v11 =	vld.idx.msk [tilespmem:v14+s16+$0x0], $0xffff  }
0x93: {  	v15 =	vmul.f32 v13, v15;
	v13 =	vld.idx.msk [tilespmem:v14+s17+$0x0], $0xffff;
	v14 =	vor.u32 v6, v16  }
0x94: {  	_ =	sdelay $0x3  }
0x95: {  	v16 =	vld.idx.msk [tilespmem:v14+s16+$0x0], $0xffff  }
0x96: {  	v14 =	vld.idx.msk [tilespmem:v14+s17+$0x0], $0xffff;
	_ =	sdelay $0x2  }
0x97: {  	v12 =	vadd.f32 v15, v12;
	v11 =	vmul.f32 v13, v11;
	_ =	sdelay $0x1  }
0x98: {  	v11 =	vadd.f32 v11, v12;
	v12 =	vmul.f32 v14, v16;
	_ =	sdelay $0x1  }
0x99: {  	v11 =	vadd.f32 v12, v11;
	_ =	sdelay $0x1  }
0x9a: {  	v11 =	vmul.f32 $1.442695020e+00, v11;
	_ =	sdelay $0x1  }
0x9b: {  	(erf) = vpow2.f32 v11;
	_ =	sdelay $0x5  }
0x9c: {  	v11 =	vadd.s32 v7, v10;
	_ =	sdelay $0x2  }
0x9d: {  	v12 =	vpop (erf)  }
0x9e: {  	s23 =	simm.s32 $0x0;
	[tilespmem:$0x9E50] =	vst v12  }
0x9f: {  	v13 =	vmov s23;
	v11 =	vld.idx.msk [tilespmem:v11+s13+$0x0], $0xffff  }
0xa0: {  	v13 =	vand.u32 $0x7F, v13  }
0xa1: {  	v13 =	vbroadcast v13, $0x0;
	_ =	sdelay $0x1  }
0xa2: {  	s30 =	simm.s32 $0x1;
	v13 =	vor.u32 v8, v13  }
0xa3: {  	v14 =	vmov s30  }
0xa4: {  	v14 =	vand.u32 $0x7F, v14  }
0xa5: {  	v14 =	vbroadcast v14, $0x0  }
0xa6: {  	[tilespmem:v11+s14+$0x0] =	vst.idx.add.f32.msk $0xffff, v12  }
0xa7: {  	v16 =	vor.u32 v8, v14;
	v15 =	vld.idx.msk [tilespmem:v13+s16+$0x0], $0xffff  }
0xa8: {  	s31 =	simm.s32 $0x2;
	v17 =	vld.idx.msk [tilespmem:v13+s17+$0x0], $0xffff  }
0xa9: {  	v11 =	vmov s31  }
0xaa: {  	v11 =	vand.u32 $0x7F, v11  }
0xab: {  	v13 =	vbroadcast v11, $0x0  }
0xac: {  	v11 =	vld.idx.msk [tilespmem:v16+s16+$0x0], $0xffff  }
0xad: {  	s23 =	simm.s32 $0x3;
	v12 =	vimm.f32 $0.0e+00;
	v14 =	vor.u32 v8, v13;
	v13 =	vld.idx.msk [tilespmem:v16+s17+$0x0], $0xffff;
	v15 =	vmul.f32 v17, v15  }
.LBB2_11:
0xae: {  	p0 =	sne.s32 s23, $0x7F  }
.Ltmp4:
0xaf: {  	v16 =	vmov s23;
	v12 =	vadd.f32 v15, v12;
	(pc) =	sbr.rel @p0 .LBB2_11-.Ltmp4, $4  }
0xb0: {  	s23 =	sadd.s32 $0x1, s23;
	v17 =	vand.u32 $0x7F, v16  }
0xb1: {  	v16 =	vbroadcast v17, $0x0  }
0xb2: {  	v15 =	vmov v11;
	v11 =	vld.idx.msk [tilespmem:v14+s16+$0x0], $0xffff  }
0xb3: {  	v15 =	vmul.f32 v13, v15;
	v13 =	vld.idx.msk [tilespmem:v14+s17+$0x0], $0xffff;
	v14 =	vor.u32 v8, v16  }
0xb4: {  	_ =	sdelay $0x3  }
0xb5: {  	v16 =	vld.idx.msk [tilespmem:v14+s16+$0x0], $0xffff  }
0xb6: {  	v62 =	vld.idx.msk [tilespmem:v14+s17+$0x0], $0xffff;
	_ =	sdelay $0x2  }
0xb7: {  	v12 =	vadd.f32 v15, v12;
	v11 =	vmul.f32 v13, v11;
	_ =	sdelay $0x1  }
0xb8: {  	v63 =	vmul.f32 v62, v16;
	v11 =	vadd.f32 v11, v12;
	_ =	sdelay $0x1  }
0xb9: {  	v11 =	vadd.f32 v63, v11;
	_ =	sdelay $0x1  }
0xba: {  	v11 =	vmul.f32 $1.442695020e+00, v11;
	_ =	sdelay $0x1  }
0xbb: {  	(erf) = vpow2.f32 v11;
	_ =	sdelay $0x5  }
0xbc: {  	v10 =	vadd.s32 v9, v10;
	_ =	sdelay $0x2  }
0xbd: {  	v11 =	vpop (erf)  }
0xbe: {  	[tilespmem:$0x9E60] =	vst v11  }
0xbf: {  	v10 =	vld.idx.msk [tilespmem:v10+s13+$0x0], $0xffff;
	_ =	sdelay $0x5  }
0xc0: {  	s22 =	sadd.s32 s3, s22;
	s21 =	sadd.s32 $0x1, s21  }
0xc1: {  	s22 =	sshrl.u32 s22, $0x3;
	p0 =	sne.s32 s21, $0x7D  }
.Ltmp5:
0xc2: {  	s22 =	sadd.s32 s7, s22;
	[tilespmem:v10+s14+$0x0] =	vst.idx.add.f32.msk $0xffff, v11;
	(pc) =	sbr.rel @p0 .LBB2_2-.Ltmp5, $4  }
0xc3: {  	[hbm4b:s22+s2] =	stream.linear.scatter [tilespmem:s19], [sflag:$0x2], $0x50, $0x38;
	[tilespmem:$0xC580] =	vst v63  }
0xc4: {  	_ =	swait.ge [sflag:s12], $0x50  }
0xc5: {  	[sflag:s12] =	ssyncset.done $0x0  }
0xc6: {  	[sflag:s12] =	ssyncadd.s32 $0xFFFFFFB0  }
0xc7: {  	s20 =	sadd.s32 $0x1, s20  }
0xc8: {  	p0 =	sne.s32 s20, s11  }
.Ltmp6:
0xc9: {  	_ = 	snop;
	(pc) =	sbr.rel @p0 .LBB2_1-.Ltmp6, $4  }
0xca: {  	[hbm4b:s10+s2] =	stream.linear.scatter [tilespmem:s14], [sflag:$0x2], $0x2710, $0x38;
	[tilespmem:$0xC580] =	vst v63  }
0xcb: {  	_ =	swait.ge [sflag:s12], $0x2710  }
0xcc: {  	[sflag:s12] =	ssyncset.done $0x0  }
0xcd: {  	[sflag:s12] =	ssyncadd.s32 $0xFFFFD8F0  }
0xce: {  	_ =	sfence.sel $0x180000  }
0xcf: {  	[bflag:$0x0] =	sbarrier.arrive $0xFFFF  }
0xd0: {  	p0 =	sne.s32 s0, $0x0;
	_ =	strace $0x90000047  }
0xd1: {  	s0 =	sadd.s32 @!p0 $0x100000, s1;
	[bflag:$0x2] =	sbarrier.arrive $0xFFFF  }
0xd2: {  	[sflag:s0] =	ssyncadd.tile.s32 @!p0 $0x1;
	_ =	shalt  }
.Lfunc_end2:
_tile_overlayer_lowered:
.L_overlay_start_2:
0xd3: {  	(tag) =	ssettag $0x2  }
0xd4: {  	s0 =	rddreg [dreg:$0x0];
	s2 =	stileid.u32  }
0xd5: {  	s1 =	rddreg [dreg:$0x1];
	p0 =	sne.s32 s2, $0x0  }
0xd6: {  	s3 =	rddreg [dreg:$0x2];
	[bflag:$0x3] =	sbarrier.arrive $0xFFFF;
	s2 =	simm.s32 @!p0 $0x1C02  }
0xd7: {  	[timem:s3], [sflag:s2] =	dma.local @!p0 [hbm:s0], s1  }
0xd8: {  	s0 =	simm.s32 @!p0 $0x2  }
0xd9: {  	_ =	swait.ge @!p0 [sflag:s0], s1  }
0xda: {  	s1 =	ssub.s32 @!p0 $0x0, s1;
	[sflag:s0] =	ssyncset.done @!p0 $0x0  }
0xdb: {  	[sflag:s0] =	ssyncadd.s32 @!p0 s1  }
0xdc: {  	[bflag:$0x3] =	sbarrier.arrive $0xFFFF  }
0xdd: {  	_ =	shalt  }

// kernel: kernel.9.cloned.1.call-start
scs
__scs_entry_jumppad:
0x0: {  	(pc) =	sbr.rel $0x88, $3  }
0x1: {  	(tag) =	ssettag $0x0;
	lr =	simm.s32 $0x1  }
0x2: {  	[smem:$0x3F90] =	sst lr;
	_ =	strace $0xD0000000  }
0x3: {  	_ = 	snop  }
0x4: {  	_ = 	snop  }
0x5: {  	_ = 	snop  }
0x6: {  	_ = 	snop  }
0x7: {  	_ = 	snop  }
__scs_overlays_trampoline_lowered:
0x8: {  	[smem:$0x3F9F] =	sst s0  }
0x9: {  	[smem:$0x3FA0] =	sst s1  }
0xa: {  	[smem:$0x3FA1] =	sst s2  }
0xb: {  	[smem:$0x3FA2] =	sst s3  }
0xc: {  	[smem:$0x3FA3] =	sst s4  }
0xd: {  	[smem:$0x3FA4] =	sst s5  }
0xe: {  	[smem:$0x3FA5] =	sst s6  }
0xf: {  	[smem:$0x3FA6] =	sst s7  }
0x10: {  	[smem:$0x3FA7] =	sst s8  }
0x11: {  	[smem:$0x3FA8] =	sst s9;
	s0 =	simm.s32 @!p0 $0x0  }
0x12: {  	s1 =	sld [smem:$0x3F8E];
	s0 =	simm.s32 @p0 $0x1  }
0x13: {  	[smem:$0x3FA9] =	sst s0;
	s0 =	simm.s32 @!p1 $0x0  }
0x14: {  	s2 =	sld [smem:$0x3F8D];
	s0 =	simm.s32 @p1 $0x1  }
0x15: {  	[smem:$0x3FAA] =	sst s0;
	s0 =	simm.s32 @!p2 $0x0  }
0x16: {  	s3 =	sld [smem:$0x3FDB];
	s0 =	simm.s32 @p2 $0x1  }
0x17: {  	s4 =	simm.s32 $0x1BF5;
	[smem:$0x3FAC] =	sst s0  }
0x18: {  	s0 =	sld [smem:$0x3F8F];
	_ =	swait.ge [sflag:s4], $0x0  }
0x19: {  	s7 =	sld [smem:$0x3F90]  }
0x1a: {  	s8 =	sadd.s32 $0xFFFFE003, lr  }
0x1b: {  	s9 =	sadd.s32 $0xFFFFFEF7, lr;
	s5 =	simm.s32 $0xFFFFFFFF;
	p2 =	slt.u32 s8, $0xFFFFF086  }
0x1c: {  	p1 =	slt.u32 s9, $0xF7A;
	s5 =	simm.s32 @!p2 $0x0  }
0x1d: {  	s5 =	simm.s32 @p1 $0x1;
	p0 =	seq.s32 s7, s2  }
0x1e: {  	s7 =	smul.u32 @!p0 $0xF7A, s2;
	p2 =	seq.s32 @!p0 s5, $0x0  }
0x1f: {  	s9 =	smul.u32 $0xF7A, s1;
	s8 =	simm.s32 @!p0 $0x1BF5;
	p2 =	por !p2, p0  }
0x20: {  	[sflag:s8] =	ssyncset.s32 @!p0 $0xFFFFF086;
	s6 =	sadd.s32 @!p0 s3, s7;
	s7 =	simm.s32 @!p0 $0x108  }
0x21: {  	s3 =	sadd.s32 s3, s9;
	s6 =	sadd.s32 @!p0 $0x88, s6;
	s7 =	simm.s32 @p2 $0x1082  }
0x22: {  	[simem:s7], [sflag:s8] =	dma.local @!p0 [hbm:s6], $0xF7A  }
0x23: {  	s9 =	sor.u32 $0xD0000000, s2;
	s6 =	simm.s32 $0x108;
	_ =	swait.ge @!p0 [sflag:s8], $0x0  }
0x24: {  	s3 =	sadd.s32 $0x88, s3;
	s6 =	simm.s32 @!p1 $0x1082;
	[sflag:s4] =	ssyncset.s32 $0xFFFFF086  }
0x25: {  	[simem:s6], [sflag:s4] =	dma.local [hbm:s3], $0xF7A  }
0x26: {  	[smem:$0x3F90] =	sst s1;
	(tag) =	ssettag s2;
	_ =	strace s9  }
0x27: {  	s1 =	sld [smem:$0x3FA0]  }
0x28: {  	s2 =	sld [smem:$0x3FA1]  }
0x29: {  	s4 =	sld [smem:$0x3FA3]  }
0x2a: {  	p0 =	seq.s32 s5, $0x0;
	s5 =	sld [smem:$0x3FA4]  }
0x2b: {  	s6 =	sld [smem:$0x3FA5]  }
0x2c: {  	s7 =	sld [smem:$0x3FA6]  }
0x2d: {  	s3 =	simm.s32 $0x108;
	s8 =	sld [smem:$0x3FA7]  }
0x2e: {  	s3 =	simm.s32 @!p0 $0x1082;
	s9 =	sld [smem:$0x3FA8]  }
0x2f: {  	lr =	sadd.s32 s0, s3;
	s0 =	sld [smem:$0x3F9F]  }
0x30: {  	s3 =	sld [smem:$0x3FA2]  }
0x31: {  	[smem:$0x3FAB] =	sst s10  }
0x32: {  	s10 =	sld [smem:$0x3FA9];
	_ =	sdelay $0x3  }
0x33: {  	p0 =	seq.s32 s10, $0x1;
	s10 =	sld [smem:$0x3FAB];
	_ =	sdelay $0x3  }
0x34: {  	[smem:$0x3FAB] =	sst s10  }
0x35: {  	s10 =	sld [smem:$0x3FAA];
	_ =	sdelay $0x3  }
0x36: {  	p1 =	seq.s32 s10, $0x1;
	s10 =	sld [smem:$0x3FAB];
	_ =	sdelay $0x3  }
0x37: {  	[smem:$0x3FAB] =	sst s10  }
0x38: {  	s10 =	sld [smem:$0x3FAC]  }
0x39: {  	_ = 	snop;
	(pc) =	sbr.ind lr, $3  }
0x3a: {  	_ = 	snop  }
0x3b: {  	_ = 	snop  }
0x3c: {  	p2 =	seq.s32 s10, $0x1;
	s10 =	sld [smem:$0x3FAB]  }
0x3d: {  	_ =	shalt  }
0x3e: {  	_ =	shalt  }
0x3f: {  	_ =	shalt  }
0x40: {  	_ =	shalt  }
0x41: {  	_ =	shalt  }
0x42: {  	_ =	shalt  }
0x43: {  	_ =	shalt  }
0x44: {  	_ =	shalt  }
0x45: {  	_ =	shalt  }
0x46: {  	_ =	shalt  }
0x47: {  	_ =	shalt  }
0x48: {  	_ =	shalt  }
0x49: {  	_ =	shalt  }
0x4a: {  	_ =	shalt  }
0x4b: {  	_ =	shalt  }
0x4c: {  	_ =	shalt  }
0x4d: {  	_ =	shalt  }
0x4e: {  	_ =	shalt  }
0x4f: {  	_ =	shalt  }
0x50: {  	_ =	shalt  }
0x51: {  	_ =	shalt  }
0x52: {  	_ =	shalt  }
0x53: {  	_ =	shalt  }
0x54: {  	_ =	shalt  }
0x55: {  	_ =	shalt  }
0x56: {  	_ =	shalt  }
0x57: {  	_ =	shalt  }
0x58: {  	_ =	shalt  }
0x59: {  	_ =	shalt  }
0x5a: {  	_ =	shalt  }
0x5b: {  	_ =	shalt  }
0x5c: {  	_ =	shalt  }
0x5d: {  	_ =	shalt  }
0x5e: {  	_ =	shalt  }
0x5f: {  	_ =	shalt  }
0x60: {  	_ =	shalt  }
0x61: {  	_ =	shalt  }
0x62: {  	_ =	shalt  }
0x63: {  	_ =	shalt  }
0x64: {  	_ =	shalt  }
0x65: {  	_ =	shalt  }
0x66: {  	_ =	shalt  }
0x67: {  	_ =	shalt  }
0x68: {  	_ =	shalt  }
0x69: {  	_ =	shalt  }
0x6a: {  	_ =	shalt  }
0x6b: {  	_ =	shalt  }
0x6c: {  	_ =	shalt  }
0x6d: {  	_ =	shalt  }
0x6e: {  	_ =	shalt  }
0x6f: {  	_ =	shalt  }
0x70: {  	_ =	shalt  }
0x71: {  	_ =	shalt  }
0x72: {  	_ =	shalt  }
0x73: {  	_ =	shalt  }
0x74: {  	_ =	shalt  }
0x75: {  	_ =	shalt  }
0x76: {  	_ =	shalt  }
0x77: {  	_ =	shalt  }
0x78: {  	_ =	shalt  }
0x79: {  	_ =	shalt  }
0x7a: {  	_ =	shalt  }
0x7b: {  	_ =	shalt  }
0x7c: {  	_ =	shalt  }
0x7d: {  	_ =	shalt  }
0x7e: {  	_ =	shalt  }
0x7f: {  	_ =	shalt  }
0x80: {  	_ =	shalt  }
0x81: {  	_ =	shalt  }
0x82: {  	_ =	shalt  }
0x83: {  	_ =	shalt  }
0x84: {  	_ =	shalt  }
0x85: {  	_ =	shalt  }
0x86: {  	_ =	shalt  }
0x87: {  	_ =	shalt  }
.Lfunc_end0:
.L_simem_size_0:
called_computation.1_lowered:
.L_overlay_start_0:
0x88: {  	s2 =	sld [smem:$0x3FD9]  }
0x89: {  	s3 =	sld [smem:$0x3FFE];
	_ =	sdelay $0x1  }
0x8a: {  	s1 =	srdreg.scid  }
0x8b: {  	s0 =	sand.u32 $0x1, s1  }
0x8c: {  	s17 =	sshll.u32 s0, $0xA;
	s2 =	sadd.s32 s3, s2  }
0x8d: {  	s2 =	sadd.s32 s2, s17  }
0x8e: {  	[smem:$0x3FB7] =	sst s2  }
0x8f: {  	_ = 	snop  }
0x90: {  	s2 =	sld [smem:$0x3FD0];
	(tm) =	ssettm $0x1  }
0x91: {  	s18 =	sld [smem:$0x3FFB];
	_ =	sdelay $0x3  }
0x92: {  	_ =	strace s18  }
0x93: {  	s3 =	sld [smem:$0x3FFC];
	_ =	sdelay $0x3  }
0x94: {  	_ =	strace s3  }
0x95: {  	s3 =	sld [smem:$0x3FFD];
	_ =	sdelay $0x3  }
0x96: {  	_ =	strace s3  }
0x97: {  	_ =	strace $0x8FFFFFFF  }
0x98: {  	s19 =	sld [smem:$0x3FDB];
	_ =	sdelay $0x1  }
0x99: {  	s4 =	simm.s32 $_scs_section_size  }
0x9a: {  	s5 =	simm.s32 $_size__tile_overlayer_lowered;
	s6 =	simm.s32 $_tile_overlayer_lowered  }
0x9b: {  	s22 =	simm.s32 $0x1BFF;
	s21 =	sshll.u32 s6, $0x1;
	s3 =	sadd.s32 s4, s19  }
0x9c: {  	s7 =	simm.s32 $0x0;
	s20 =	sshll.u32 s5, $0x1;
	s5 =	sadd.s32 s21, s3  }
0x9d: {  	[timem:s7], [sflag:s22] =	dma.local [hbm:s5], s20  }
0x9e: {  	_ =	swait.ge [sflag:s22], s20  }
0x9f: {  	s4 =	ssub.s32 $0x0, s20;
	[sflag:s22] =	ssyncset.done $0x0  }
0xa0: {  	[sflag:s22] =	ssyncadd.s32 s4;
	_ =	sdelay $0x1  }
0xa1: {  	s23 =	simm.s32 $0x1B8B  }
0xa2: {  	_ =	swait.ge [sflag:s23], $0x1  }
0xa3: {  	[sflag:s23] =	ssyncset.done $0x0  }
0xa4: {  	s25 =	simm.s32 $0x1B8E;
	s24 =	sld [smem:$0x3FFE];
	[sflag:s23] =	ssyncadd.s32 $0xFFFFFFFF  }
0xa5: {  	s26 =	simm.s32 $execute0_lowered;
	[smem:$0x3FD2] =	sst s25  }
0xa6: {  	s5 =	sshll.u32 s26, $0x1;
	_ =	strace $0x80000049;
	[dreg:$0x1] =	wrdreg $0xFFFFFFFF  }
0xa7: {  	s28 =	simm.s32 $_size_execute0_lowered;
	s3 =	sadd.s32 s3, s5;
	[dreg:$0x0] =	wrdreg $0x0  }
0xa8: {  	s5 =	sshll.u32 s28, $0x1;
	[dreg:$0x2] =	wrdreg s3  }
0xa9: {  	[dreg:$0x3] =	wrdreg s5  }
0xaa: {  	[dreg:$0x4] =	wrdreg $0xC0  }
0xab: {  	_ =	task [dreg:s7], $0x5FFFF  }
0xac: {  	[dreg:$0x1] =	wrdreg $0xFFFFFFFF  }
0xad: {  	[dreg:$0x0] =	wrdreg $0x60  }
0xae: {  	[dreg:$0x2] =	wrdreg s2  }
0xaf: {  	[dreg:$0x3] =	wrdreg s24  }
0xb0: {  	[dreg:$0x4] =	wrdreg $0xFE600  }
0xb1: {  	[dreg:$0x5] =	wrdreg $0x9  }
0xb2: {  	_ =	task.clear_ibuf [dreg:s7], $0x6FFFF;
	_ =	strace $0x90000049  }
0xb3: {  	s29 =	simm.s32 $0x9;
	_ =	strace $0x8000004B  }
0xb4: {  	_ =	swait.ge [sflag:s29], $0x1  }
0xb5: {  	[sflag:s29] =	ssyncadd.s32 $0xFFFFFFFF  }
0xb6: {  	_ =	strace $0x9000004B  }
0xb7: {  	_ =	sfence  }
0xb8: {  	s30 =	sld [smem:$0x0];
	_ =	sdelay $0x2  }
0xb9: {  	s31 =	sshll.u32 s1, $0xD;
	s1 =	sshrl.u32 s1, $0x2  }
0xba: {  	s3 =	sand.u32 $0x4000, s31;
	s1 =	sadd.s32 s1, s30  }
0xbb: {  	s0 =	sor.u32 s3, s0;
	s1 =	sshll.u32 s1, $0x11  }
0xbc: {  	s0 =	sor.u32 s1, s0  }
0xbd: {  	s0 =	sadd.s32 $0x8F2B, s0  }
0xbe: {  	[sflag:s0] =	ssyncadd.remote.s32 $0x1  }
0xbf: {  	_ =	sfence.sel $0xFFFF  }
0xc0: {  	[dreg:$0x0] =	wrdreg $0xFFFFFFFF;
	(pc) =	sbr.abs _section_cstart, $3  }
0xc1: {  	[dreg:$0x1] =	wrdreg $0xFFFFFFFF  }
0xc2: {  	_ =	task.clear_ibuf [dreg:s7], $0x2FFFF;
	_ =	strace $0x9FFFFFFF  }
0xc3: {  	(tm) =	ssettm $0x7FFFFFFF  }
tec
execute0_lowered:
.L_overlay_start_1:
0x0: {  	(tag) =	ssettag $0x1  }
0x1: {  	s7 =	rddreg [dreg:$0x0]  }
0x2: {  	s4 =	rddreg [dreg:$0x1]  }
0x3: {  	s1 =	rddreg [dreg:$0x2]  }
0x4: {  	s0 =	rddreg [dreg:$0x3];
	s2 =	simm.s32 $0x0;
	s12 =	stileid.u32  }
0x5: {  	s3 =	srdreg.scid;
	s17 =	simm.s32 $0x50;
	s18 =	simm.s32 $0xEA60  }
0x6: {  	s19 =	simm.s32 $0x1;
	s20 =	simm.s32 $0x0;
	[smem:$0x7FF] =	sst s2  }
0x7: {  	s5 =	smul.u32 $0x9C4, s12;
	s8 =	sand.u32 $0x1, s3;
	s3 =	sadd.s32 $0x17000, s4  }
0x8: {  	s10 =	sadd.s32 $0x18400, s4;
	s13 =	smul.u32 $0x9C00, s12;
	s16 =	sadd.s32 $0x9C000, s1  }
0x9: {  	p0 =	sne.s32 s12, $0x0;
	s31 =	sshll.u32 s12, $0x6;
	s12 =	simm.s32 $0x4E20  }
0xa: {  	_ =	strace $0x8000004A;
	s6 =	ssub.s32 $0x2, s8;
	s14 =	smul.u32 $0x9C400, s8  }
0xb: {  	s8 =	smul.u32 $0x13880, s8;
	s16 =	sshrl.u32 @!p0 s16, $0x3;
	s25 =	sshrl.u32 s6, $0x1  }
0xc: {  	s9 =	sadd.s32 s5, s4;
	s15 =	sadd.s32 s13, s1;
	s11 =	ssub.s32 s6, s25  }
0xd: {  	v0 =	vlaneseq.u32;
	s4 =	sadd.s32 $0xD200, s9;
	s5 =	sadd.s32 $0x3400, s9;
	s6 =	sadd.s32 $0xBDA00, s9  }
0xe: {  	v1 =	vmul.u32 $0x40, v0;
	s26 =	sadd.s32 s13, s14;
	s28 =	sshrl.u32 s14, $0x3;
	s7 =	sadd.s32 s7, s8  }
0xf: {  	v2 =	vor.u32 $0x10, v0;
	v4 =	vor.u32 $0x20, v0;
	s13 =	simm.s32 $0x9C40;
	s14 =	sor.u32 $0x1C02, s31;
	s29 =	sshrl.u32 s26, $0x3  }
0x10: {  	v6 =	vor.u32 $0x30, v0;
	v8 =	vor.u32 $0x40, v0;
	v3 =	vor.u32 $0x400, v1;
	s15 =	sshrl.u32 s15, $0x3;
	s30 =	sadd.s32 s10, s28;
	s8 =	sadd.s32 s10, s29  }
0x11: {  	v5 =	vor.u32 $0x800, v1;
	v7 =	vor.u32 $0xC00, v1;
	v9 =	vor.u32 $0x1000, v1;
	s9 =	sadd.s32 $0x13800, s30;
	s10 =	smax.u32 s11, $0x1;
	s11 =	simm.s32 $0x2  }
.LBB2_1:
0x12: {  	[tilespmem:s2], [sflag:$0x2] =	stream.linear.gather [hbm4b:s4+s2], $0x4E20, $0x38;
	[tilespmem:$0x19AA0] =	vst v63  }
0x13: {  	_ =	swait.ge [sflag:s11], $0x4E20  }
0x14: {  	[sflag:s11] =	ssyncset.done $0x0  }
0x15: {  	[sflag:s11] =	ssyncadd.s32 $0xFFFFB1E0  }
0x16: {  	[tilespmem:s12], [sflag:$0x2] =	stream.linear.gather [hbm4b:s5+s2], $0x4E20, $0x38;
	[tilespmem:$0x19AA0] =	vst v63  }
0x17: {  	_ =	swait.ge [sflag:s11], $0x4E20  }
0x18: {  	[sflag:s11] =	ssyncset.done $0x0  }
0x19: {  	[sflag:s11] =	ssyncadd.s32 $0xFFFFB1E0  }
0x1a: {  	[tilespmem:s13], [sflag:$0x2] =	stream.linear.gather [hbm4b:s6+s2], $0x4E20, $0x38;
	[tilespmem:$0x19AA0] =	vst v63  }
0x1b: {  	_ =	swait.ge [sflag:s11], $0x4E20  }
0x1c: {  	[sflag:s11] =	ssyncset.done $0x0  }
0x1d: {  	[sflag:s11] =	ssyncadd.s32 $0xFFFFB1E0  }
0x1e: {  	[spmem:s15], [sflag:s14] =	dma.local [hbm:s3], $0x1380  }
0x1f: {  	_ =	swait.ge [sflag:s11], $0x1380  }
0x20: {  	[sflag:s11] =	ssyncset.done $0x0  }
0x21: {  	s21 =	simm.s32 @!p0 $0x2;
	[sflag:s11] =	ssyncadd.s32 $0xFFFFEC80  }
0x22: {  	[spmem:s16], [sflag:s14] =	dma.local @!p0 [hbm:s3], $0x80  }
0x23: {  	_ =	swait.ge @!p0 [sflag:s21], $0x80  }
0x24: {  	[sflag:s21] =	ssyncset.done @!p0 $0x0  }
0x25: {  	[sflag:s21] =	ssyncadd.s32 @!p0 $0xFFFFFF80  }
0x26: {  	s21 =	simm.s32 $0x0;
	[bflag:$0x0] =	sbarrier.arrive $0xFFFF  }
.LBB2_2:
0x27: {  	v10 =	vmov s21  }
0x28: {  	s22 =	simm.s32 $0x0;
	v10 =	vmul.u32 $0x50, v10  }
0x29: {  	v11 =	vmov s22  }
0x2a: {  	v11 =	vand.u32 $0x3F, v11;
	v10 =	vbroadcast v10, $0x0  }
0x2b: {  	s22 =	smul.u32 $0x50, s21;
	v11 =	vbroadcast v11, $0x0  }
0x2c: {  	v13 =	vor.u32 v0, v10  }
0x2d: {  	[tilespmem:s18], [sflag:$0x1] =	stream.indirect.gather [hbm4b:s7+s17], $0x40, s22, s17, $0xb8;
	v12 =	vor.u32 v1, v11;
	[tilespmem:$0x19AA0] =	vst v63  }
0x2e: {  	_ =	swait.ge [sflag:s19], $0x1400  }
0x2f: {  	[sflag:s19] =	ssyncset.done $0x0  }
0x30: {  	[sflag:s19] =	ssyncadd.s32 $0xFFFFEC00  }
0x31: {  	s23 =	simm.s32 $0x1;
	v11 =	vld.idx.msk [tilespmem:v13+s13+$0x0], $0xffff  }
0x32: {  	v14 =	vmov s23;
	s23 =	simm.s32 $0x2;
	v13 =	vld.idx.msk [tilespmem:v12+s18+$0x0], $0xffff  }
.LBB2_3:
0x33: {  	p1 =	sne.s32 s23, $0x3F;
	v14 =	vand.u32 $0x3F, v14  }
0x34: {  	v14 =	vbroadcast v14, $0x0;
	_ =	sdelay $0x1  }
0x35: {  	v15 =	vor.u32 v1, v14  }
.Ltmp0:
0x36: {  	(pc) =	sbr.rel @p1 .LBB2_3-.Ltmp0, $3  }
0x37: {  	v13 =	vmul.f32 v13, v11;
	_ =	sdelay $0x1  }
0x38: {  	[tilespmem:v12+s18+$0x0] =	vst.idx.msk $0xffff, v13;
	v12 =	vmov v15  }
0x39: {  	v14 =	vmov s23;
	s23 =	sadd.s32 $0x1, s23;
	v13 =	vld.idx.msk [tilespmem:v15+s18+$0x0], $0xffff  }
0x3a: {  	v14 =	vand.u32 $0x3F, v14  }
0x3b: {  	v14 =	vbroadcast v14, $0x0;
	_ =	sdelay $0x1  }
0x3c: {  	v14 =	vor.u32 v1, v14;
	_ =	sdelay $0x1  }
0x3d: {  	v13 =	vmul.f32 v13, v11;
	_ =	sdelay $0x1  }
0x3e: {  	s23 =	simm.s32 $0x0;
	[tilespmem:v12+s18+$0x0] =	vst.idx.msk $0xffff, v13  }
0x3f: {  	v12 =	vmov s23;
	v13 =	vld.idx.msk [tilespmem:v14+s18+$0x0], $0xffff  }
0x40: {  	v12 =	vand.u32 $0x3F, v12  }
0x41: {  	v12 =	vbroadcast v12, $0x0  }
0x42: {  	v15 =	vadd.s32 v2, v10  }
0x43: {  	v12 =	vor.u32 v3, v12  }
0x44: {  	v11 =	vmul.f32 v13, v11;
	_ =	sdelay $0x1  }
0x45: {  	[tilespmem:v14+s18+$0x0] =	vst.idx.msk $0xffff, v11  }
0x46: {  	s31 =	simm.s32 $0x1;
	v11 =	vld.idx.msk [tilespmem:v15+s13+$0x0], $0xffff  }
0x47: {  	s23 =	simm.s32 $0x2;
	v14 =	vmov s31;
	v13 =	vld.idx.msk [tilespmem:v12+s18+$0x0], $0xffff  }
.LBB2_5:
0x48: {  	p1 =	sne.s32 s23, $0x3F;
	v14 =	vand.u32 $0x3F, v14  }
0x49: {  	v14 =	vbroadcast v14, $0x0;
	_ =	sdelay $0x1  }
0x4a: {  	v15 =	vor.u32 v3, v14  }
.Ltmp1:
0x4b: {  	(pc) =	sbr.rel @p1 .LBB2_5-.Ltmp1, $3  }
0x4c: {  	v13 =	vmul.f32 v13, v11;
	_ =	sdelay $0x1  }
0x4d: {  	[tilespmem:v12+s18+$0x0] =	vst.idx.msk $0xffff, v13;
	v12 =	vmov v15  }
0x4e: {  	v14 =	vmov s23;
	s23 =	sadd.s32 $0x1, s23;
	v13 =	vld.idx.msk [tilespmem:v15+s18+$0x0], $0xffff  }
0x4f: {  	v14 =	vand.u32 $0x3F, v14  }
0x50: {  	v14 =	vbroadcast v14, $0x0;
	_ =	sdelay $0x1  }
0x51: {  	v14 =	vor.u32 v3, v14;
	_ =	sdelay $0x1  }
0x52: {  	v13 =	vmul.f32 v13, v11;
	_ =	sdelay $0x1  }
0x53: {  	s23 =	simm.s32 $0x0;
	[tilespmem:v12+s18+$0x0] =	vst.idx.msk $0xffff, v13  }
0x54: {  	v12 =	vmov s23;
	v13 =	vld.idx.msk [tilespmem:v14+s18+$0x0], $0xffff  }
0x55: {  	v12 =	vand.u32 $0x3F, v12  }
0x56: {  	v12 =	vbroadcast v12, $0x0  }
0x57: {  	v15 =	vadd.s32 v4, v10  }
0x58: {  	v12 =	vor.u32 v5, v12  }
0x59: {  	v11 =	vmul.f32 v13, v11;
	_ =	sdelay $0x1  }
0x5a: {  	[tilespmem:v14+s18+$0x0] =	vst.idx.msk $0xffff, v11  }
0x5b: {  	s31 =	simm.s32 $0x1;
	v11 =	vld.idx.msk [tilespmem:v15+s13+$0x0], $0xffff  }
0x5c: {  	s23 =	simm.s32 $0x2;
	v14 =	vmov s31;
	v13 =	vld.idx.msk [tilespmem:v12+s18+$0x0], $0xffff  }
.LBB2_7:
0x5d: {  	p1 =	sne.s32 s23, $0x3F;
	v14 =	vand.u32 $0x3F, v14  }
0x5e: {  	v14 =	vbroadcast v14, $0x0;
	_ =	sdelay $0x1  }
0x5f: {  	v15 =	vor.u32 v5, v14  }
.Ltmp2:
0x60: {  	(pc) =	sbr.rel @p1 .LBB2_7-.Ltmp2, $3  }
0x61: {  	v13 =	vmul.f32 v13, v11;
	_ =	sdelay $0x1  }
0x62: {  	[tilespmem:v12+s18+$0x0] =	vst.idx.msk $0xffff, v13;
	v12 =	vmov v15  }
0x63: {  	v14 =	vmov s23;
	s23 =	sadd.s32 $0x1, s23;
	v13 =	vld.idx.msk [tilespmem:v15+s18+$0x0], $0xffff  }
0x64: {  	v14 =	vand.u32 $0x3F, v14  }
0x65: {  	v14 =	vbroadcast v14, $0x0;
	_ =	sdelay $0x1  }
0x66: {  	v14 =	vor.u32 v5, v14;
	_ =	sdelay $0x1  }
0x67: {  	v13 =	vmul.f32 v13, v11;
	_ =	sdelay $0x1  }
0x68: {  	s23 =	simm.s32 $0x0;
	[tilespmem:v12+s18+$0x0] =	vst.idx.msk $0xffff, v13  }
0x69: {  	v12 =	vmov s23;
	v13 =	vld.idx.msk [tilespmem:v14+s18+$0x0], $0xffff  }
0x6a: {  	v12 =	vand.u32 $0x3F, v12  }
0x6b: {  	v12 =	vbroadcast v12, $0x0  }
0x6c: {  	v15 =	vadd.s32 v6, v10  }
0x6d: {  	v12 =	vor.u32 v7, v12  }
0x6e: {  	v11 =	vmul.f32 v13, v11;
	_ =	sdelay $0x1  }
0x6f: {  	[tilespmem:v14+s18+$0x0] =	vst.idx.msk $0xffff, v11  }
0x70: {  	s31 =	simm.s32 $0x1;
	v11 =	vld.idx.msk [tilespmem:v15+s13+$0x0], $0xffff  }
0x71: {  	s23 =	simm.s32 $0x2;
	v14 =	vmov s31;
	v13 =	vld.idx.msk [tilespmem:v12+s18+$0x0], $0xffff  }
.LBB2_9:
0x72: {  	p1 =	sne.s32 s23, $0x3F;
	v14 =	vand.u32 $0x3F, v14  }
0x73: {  	v14 =	vbroadcast v14, $0x0;
	_ =	sdelay $0x1  }
0x74: {  	v15 =	vor.u32 v7, v14  }
.Ltmp3:
0x75: {  	(pc) =	sbr.rel @p1 .LBB2_9-.Ltmp3, $3  }
0x76: {  	v13 =	vmul.f32 v13, v11;
	_ =	sdelay $0x1  }
0x77: {  	[tilespmem:v12+s18+$0x0] =	vst.idx.msk $0xffff, v13;
	v12 =	vmov v15  }
0x78: {  	v14 =	vmov s23;
	s23 =	sadd.s32 $0x1, s23;
	v13 =	vld.idx.msk [tilespmem:v15+s18+$0x0], $0xffff  }
0x79: {  	v14 =	vand.u32 $0x3F, v14  }
0x7a: {  	v14 =	vbroadcast v14, $0x0;
	_ =	sdelay $0x1  }
0x7b: {  	v14 =	vor.u32 v7, v14;
	_ =	sdelay $0x1  }
0x7c: {  	v13 =	vmul.f32 v13, v11;
	_ =	sdelay $0x1  }
0x7d: {  	s23 =	simm.s32 $0x0;
	[tilespmem:v12+s18+$0x0] =	vst.idx.msk $0xffff, v13  }
0x7e: {  	v13 =	vmov s23;
	v12 =	vld.idx.msk [tilespmem:v14+s18+$0x0], $0xffff  }
0x7f: {  	v13 =	vand.u32 $0x3F, v13  }
0x80: {  	v13 =	vbroadcast v13, $0x0  }
0x81: {  	v15 =	vadd.s32 v8, v10  }
0x82: {  	v10 =	vor.u32 v9, v13  }
0x83: {  	v11 =	vmul.f32 v12, v11;
	_ =	sdelay $0x1  }
0x84: {  	[tilespmem:v14+s18+$0x0] =	vst.idx.msk $0xffff, v11  }
0x85: {  	s31 =	simm.s32 $0x1;
	v11 =	vld.idx.msk [tilespmem:v15+s13+$0x0], $0xffff  }
0x86: {  	s23 =	simm.s32 $0x2;
	v13 =	vmov s31;
	v12 =	vld.idx.msk [tilespmem:v10+s18+$0x0], $0xffff  }
.LBB2_11:
0x87: {  	p1 =	sne.s32 s23, $0x3F;
	v13 =	vand.u32 $0x3F, v13  }
0x88: {  	v13 =	vbroadcast v13, $0x0;
	_ =	sdelay $0x1  }
0x89: {  	v14 =	vor.u32 v9, v13  }
.Ltmp4:
0x8a: {  	(pc) =	sbr.rel @p1 .LBB2_11-.Ltmp4, $3  }
0x8b: {  	v12 =	vmul.f32 v12, v11;
	_ =	sdelay $0x1  }
0x8c: {  	[tilespmem:v10+s18+$0x0] =	vst.idx.msk $0xffff, v12;
	v10 =	vmov v14  }
0x8d: {  	v13 =	vmov s23;
	s23 =	sadd.s32 $0x1, s23;
	v12 =	vld.idx.msk [tilespmem:v14+s18+$0x0], $0xffff  }
0x8e: {  	v13 =	vand.u32 $0x3F, v13  }
0x8f: {  	v13 =	vbroadcast v13, $0x0;
	_ =	sdelay $0x1  }
0x90: {  	v13 =	vor.u32 v9, v13;
	_ =	sdelay $0x1  }
0x91: {  	v12 =	vmul.f32 v12, v11;
	_ =	sdelay $0x1  }
0x92: {  	[tilespmem:v10+s18+$0x0] =	vst.idx.msk $0xffff, v12  }
0x93: {  	v10 =	vld.idx.msk [tilespmem:v13+s18+$0x0], $0xffff;
	_ =	sdelay $0x4  }
0x94: {  	s21 =	sadd.s32 $0x1, s21;
	v10 =	vmul.f32 v10, v11  }
0x95: {  	p1 =	sne.s32 s21, $0xFA  }
.Ltmp5:
0x96: {  	s22 =	sadd.s32 $0x4E20, s22;
	[tilespmem:v13+s18+$0x0] =	vst.idx.msk $0xffff, v10;
	(pc) =	sbr.rel @p1 .LBB2_2-.Ltmp5, $4  }
0x97: {  	[spmem:s1] =	stream.indirect.scatter.add.f32 [tilespmem:s18], [sflag:$0x2], $0x40, s22, s17, $0xb8;
	[tilespmem:$0x19AA0] =	vst v63  }
0x98: {  	_ =	swait.ge [sflag:s11], $0x1400  }
0x99: {  	[sflag:s11] =	ssyncset.done $0x0  }
0x9a: {  	[sflag:s11] =	ssyncadd.s32 $0xFFFFEC00  }
0x9b: {  	[bflag:$0x0] =	sbarrier.arrive $0xFFFF  }
0x9c: {  	[hbm:s8], [sflag:s14] =	dma.local [spmem:s15], $0x1380  }
0x9d: {  	s20 =	sadd.s32 $0x1, s20;
	_ =	swait.ge [sflag:s11], $0x1380  }
0x9e: {  	p1 =	sne.s32 s20, s10;
	[sflag:s11] =	ssyncset.done $0x0  }
.Ltmp6:
0x9f: {  	s21 =	simm.s32 @!p0 $0x2;
	[sflag:s11] =	ssyncadd.s32 $0xFFFFEC80;
	(pc) =	sbr.rel @p1 .LBB2_1-.Ltmp6, $4  }
0xa0: {  	[hbm:s9], [sflag:s14] =	dma.local @!p0 [spmem:s16], $0x80  }
0xa1: {  	_ =	swait.ge @!p0 [sflag:s21], $0x80  }
0xa2: {  	[sflag:s21] =	ssyncset.done @!p0 $0x0  }
0xa3: {  	[sflag:s21] =	ssyncadd.s32 @!p0 $0xFFFFFF80  }
0xa4: {  	_ =	sfence.sel $0x180000  }
0xa5: {  	[bflag:$0x0] =	sbarrier.arrive $0xFFFF  }
0xa6: {  	_ =	strace $0x9000004A  }
0xa7: {  	s0 =	sadd.s32 @!p0 $0x100000, s0;
	[bflag:$0x2] =	sbarrier.arrive $0xFFFF  }
0xa8: {  	[sflag:s0] =	ssyncadd.tile.s32 @!p0 $0x1;
	_ =	shalt  }
.Lfunc_end2:
_tile_overlayer_lowered:
.L_overlay_start_2:
0xa9: {  	(tag) =	ssettag $0x2  }
0xaa: {  	s0 =	rddreg [dreg:$0x0];
	s2 =	stileid.u32  }
0xab: {  	s1 =	rddreg [dreg:$0x1];
	p0 =	sne.s32 s2, $0x0  }
0xac: {  	s3 =	rddreg [dreg:$0x2];
	[bflag:$0x3] =	sbarrier.arrive $0xFFFF;
	s2 =	simm.s32 @!p0 $0x1C02  }
0xad: {  	[timem:s3], [sflag:s2] =	dma.local @!p0 [hbm:s0], s1  }
0xae: {  	s0 =	simm.s32 @!p0 $0x2  }
0xaf: {  	_ =	swait.ge @!p0 [sflag:s0], s1  }
0xb0: {  	s1 =	ssub.s32 @!p0 $0x0, s1;
	[sflag:s0] =	ssyncset.done @!p0 $0x0  }
0xb1: {  	[sflag:s0] =	ssyncadd.s32 @!p0 s1  }
0xb2: {  	[bflag:$0x3] =	sbarrier.arrive $0xFFFF  }
0xb3: {  	_ =	shalt  }

</sc_bundles>
